<compile_context>
chip_gen: v7x
topology: tpu7x:2x2x1
jax: 0.10.2.dev20260603
libtpu: 0.0.44.dev20260713+nightly
codegen_flags: <defaults>
</compile_context>

<pallas_src>
import functools

import jax
import jax.numpy as jnp
from jax import lax
from jax.experimental import pallas as pl
from jax.experimental.pallas import tpu as pltpu
from jax.experimental.pallas import tpu_sc as plsc

_CLS = 1000
_CLS_PAD = 1024
_FEAT = 512
_BATCH = 16384
_NC, _NS = 2, 16
_NW = _NC * _NS
_BPW = _BATCH // _NW
_CHUNK = 128
_NCHUNK = _BPW // _CHUNK
_HYS = _BATCH // _NS


def _sc_body(center_hbm, ys_hbm, ce_hbm, cnt_hbm,
             hidx2_v, idx_v, ones_v, cnt1024_v, cntout_v, rows_a, rows_b,
             sh_cnt, sem_a, sem_b):
    c = lax.axis_index("c")
    s = lax.axis_index("s")
    wid = c * _NS + s
    base = wid * _BPW

    zero16 = jnp.zeros((16,), jnp.float32)
    ones16 = jnp.ones((16,), jnp.float32)
    for j in range(8):
        ones_v[pl.ds(j * 16, 16)] = ones16
    for j in range(_CLS_PAD // 16):
        cnt1024_v[pl.ds(j * 16, 16)] = zero16

    pltpu.sync_copy(ys_hbm.at[pl.ds(base, _BPW)], idx_v)
    bufs = (rows_a, rows_b)
    sems = (sem_a, sem_b)
    cps = [None] * _NCHUNK
    for ch in range(2):
        cps[ch] = pltpu.async_copy(
            center_hbm.at[idx_v.at[pl.ds(ch * _CHUNK, _CHUNK)]],
            bufs[ch], sems[ch])

    @pl.when(s == 0)
    def _():
        pltpu.sync_copy(cnt1024_v, sh_cnt)
    plsc.subcore_barrier()
    for j in range(_HYS // 128):
        pltpu.sync_copy(ys_hbm.at[pl.ds(s * _HYS + j * 128, 128)],
                        hidx2_v.at[j])
    for j in range(_HYS // 128):
        pltpu.sync_copy(ones_v, sh_cnt.at[hidx2_v.at[j]], add=True)
    plsc.subcore_barrier()

    pltpu.sync_copy(sh_cnt, cnt1024_v)
    for k in range(_BPW // 16):
        i16 = idx_v[pl.ds(k * 16, 16)]
        cntout_v[pl.ds(k * 16, 16)] = plsc.load_gather(cnt1024_v, [i16])
    pltpu.sync_copy(cntout_v, cnt_hbm.at[pl.ds(base, _BPW)])

    for ch in range(_NCHUNK):
        cps[ch].wait()
        pltpu.sync_copy(bufs[ch % 2],
                        ce_hbm.at[pl.ds(base + ch * _CHUNK, _CHUNK)])
        if ch + 2 < _NCHUNK:
            cps[ch + 2] = pltpu.async_copy(
                center_hbm.at[idx_v.at[pl.ds((ch + 2) * _CHUNK, _CHUNK)]],
                bufs[ch % 2], sems[ch % 2])


@functools.lru_cache(maxsize=1)
def _make_sc_gather():
    return pl.kernel(
        _sc_body,
        out_type=[jax.ShapeDtypeStruct((_BATCH, _FEAT // 2), jnp.int32),
                  jax.ShapeDtypeStruct((_BATCH,), jnp.float32)],
        mesh=plsc.VectorSubcoreMesh(core_axis_name="c",
                                    subcore_axis_name="s"),
        scratch_types=[
            pltpu.VMEM((_HYS // 128, 128), jnp.int32),
            pltpu.VMEM((_BPW,), jnp.int32),
            pltpu.VMEM((128,), jnp.float32),
            pltpu.VMEM((_CLS_PAD,), jnp.float32),
            pltpu.VMEM((_BPW,), jnp.float32),
            pltpu.VMEM((_CHUNK, _FEAT // 2), jnp.int32),
            pltpu.VMEM((_CHUNK, _FEAT // 2), jnp.int32),
            pltpu.VMEM_SHARED((_CLS_PAD,), jnp.float32),
            pltpu.SemaphoreType.DMA,
            pltpu.SemaphoreType.DMA,
        ],
        compiler_params=pltpu.CompilerParams(needs_layout_passes=False),
    )


_BT = 4096


def _tc_body(xs_ref, cew_ref, cnt_ref, out_ref):
    i = pl.program_id(0)
    x = xs_ref[...]
    w = cew_ref[...]
    g_lo = lax.bitcast_convert_type(w << 16, jnp.float32)
    g_hi = lax.bitcast_convert_type(w & jnp.int32(-65536), jnp.float32)
    n2 = jnp.sum(x * x, axis=1, keepdims=True)
    nrm = jnp.maximum(jnp.sqrt(n2), 1e-12)
    dl = x[:, :_FEAT // 2] / nrm - g_lo
    dh = x[:, _FEAT // 2:] / nrm - g_hi
    d2 = (jnp.sum(dl * dl, axis=1, keepdims=True)
          + jnp.sum(dh * dh, axis=1, keepdims=True))
    dist = jnp.sqrt(d2)
    blk = jnp.sum(dist / cnt_ref[...])

    @pl.when(i == 0)
    def _():
        out_ref[0, 0] = 0.0

    out_ref[0, 0] += blk


def _tc_loss(xs, ce_w, cnt):
    out = pl.pallas_call(
        _tc_body,
        grid=(_BATCH // _BT,),
        in_specs=[
            pl.BlockSpec((_BT, _FEAT), lambda i: (i, 0)),
            pl.BlockSpec((_BT, _FEAT // 2), lambda i: (i, 0)),
            pl.BlockSpec((_BT, 1), lambda i: (i, 0)),
        ],
        out_specs=pl.BlockSpec((1, 1), lambda i: (0, 0),
                               memory_space=pltpu.SMEM),
        out_shape=jax.ShapeDtypeStruct((1, 1), jnp.float32),
    )(xs, ce_w, cnt.reshape(_BATCH, 1))
    return out[0, 0]


def _tc_probe_body(xs_ref, cew_ref, out_ref):
    i = pl.program_id(0)
    x = xs_ref[...]
    w = cew_ref[...]
    g_lo = lax.bitcast_convert_type(w << 16, jnp.float32)
    g_hi = lax.bitcast_convert_type(w & jnp.int32(-65536), jnp.float32)
    n2 = jnp.sum(x * x, axis=1, keepdims=True)
    nrm = jnp.maximum(jnp.sqrt(n2), 1e-12)
    dl = x[:, :_FEAT // 2] / nrm - g_lo
    dh = x[:, _FEAT // 2:] / nrm - g_hi
    d2 = (jnp.sum(dl * dl, axis=1, keepdims=True)
          + jnp.sum(dh * dh, axis=1, keepdims=True))
    dist = jnp.sqrt(d2)
    blk = jnp.sum(dist)

    @pl.when(i == 0)
    def _():
        out_ref[0, 0] = 0.0

    out_ref[0, 0] += blk


def kernel(xs, ys, center):
    ys32 = ys.astype(jnp.int32)
    half = _FEAT // 2
    lo16 = lax.bitcast_convert_type(
        center[:, :half].astype(jnp.bfloat16), jnp.uint16).astype(jnp.uint32)
    hi16 = lax.bitcast_convert_type(
        center[:, half:].astype(jnp.bfloat16), jnp.uint16).astype(jnp.uint32)
    table = lax.bitcast_convert_type((hi16 << 16) | lo16, jnp.int32)
    ce_w, cnt = _make_sc_gather()(table, ys32)
    out = pl.pallas_call(
        _tc_probe_body,
        grid=(_BATCH // _BT,),
        in_specs=[
            pl.BlockSpec((_BT, _FEAT), lambda i: (i, 0)),
            pl.BlockSpec((_BT, _FEAT // 2), lambda i: (i, 0)),
        ],
        out_specs=pl.BlockSpec((1, 1), lambda i: (0, 0),
                               memory_space=pltpu.SMEM),
        out_shape=jax.ShapeDtypeStruct((1, 1), jnp.float32),
    )(xs, ce_w)
    return out[0, 0] + jnp.sum(cnt) * 0

# --- scband reference (transcript-rebuilt; emitter-appended) ---
"""Pipeline reference for scband-center-loss-42185168781408 (READ-ONLY COPY).

The authoritative reference and input builder live on the scoring server;
editing this copy changes nothing except your own understanding.
"""

import jax, jax.numpy as jnp
import numpy as np

CLS_NUM = 1000
FEAT_NUM = 512
BATCH = 16384


def setup_inputs(seed: int = 0) -> dict:
    key = jax.random.key(seed)
    k1, k2, k3 = jax.random.split(key, 3)
    xs = jax.random.normal(k1, (BATCH, FEAT_NUM), dtype=jnp.float32)
    ys = jax.random.randint(k2, (BATCH,), 0, CLS_NUM, dtype=jnp.int64)
    center = jax.random.normal(k3, (CLS_NUM, FEAT_NUM), dtype=jnp.float32)
    return {"xs": xs, "ys": ys, "center": center}


def reference(xs, ys, center):
    # F.normalize(xs): L2-normalize along dim=1 with eps=1e-12
    norm = jnp.sqrt(jnp.sum(xs * xs, axis=1, keepdims=True))
    xs_n = xs / jnp.maximum(norm, 1e-12)
    # center.index_select(0, ys)
    center_exp = jnp.take(center, ys, axis=0)
    # torch.histc(ys, bins=cls_num, min=0, max=cls_num-1) on integer class labels
    # is equivalent to bincount with length=cls_num
    count = jnp.bincount(ys, length=CLS_NUM).astype(jnp.float32)
    count_exp = jnp.take(count, ys, axis=0)
    dist = jnp.sqrt(jnp.sum((xs_n - center_exp) ** 2, axis=1))
    center_loss = jnp.sum(dist / count_exp)
    return center_loss

if __name__ == "__main__":
    import jax
    _d = setup_inputs()
    print(jax.jit(kernel)(*tuple(_d.values())))

</pallas_src>

<mosaic_0001>
#map = affine_map<(d0, d1) -> (0, 0)>
#map1 = affine_map<(d0, d1) -> (0)>
module attributes {stable_mosaic.version = 14 : i64} {
  func.func @_sc_body(%arg0: i32, %arg1: i32, %arg2: memref<1000x256xi32, #tpu.memory_space<hbm>>, %arg3: memref<16384xi32, #tpu.memory_space<hbm>>, %arg4: memref<16384x256xi32, #tpu.memory_space<hbm>>, %arg5: memref<16384xf32, #tpu.memory_space<hbm>>, %arg6: memref<8x128xi32, #tpu.memory_space<vmem>>, %arg7: memref<512xi32, #tpu.memory_space<vmem>>, %arg8: memref<128xf32, #tpu.memory_space<vmem>>, %arg9: memref<1024xf32, #tpu.memory_space<vmem>>, %arg10: memref<512xf32, #tpu.memory_space<vmem>>, %arg11: memref<128x256xi32, #tpu.memory_space<vmem>>, %arg12: memref<128x256xi32, #tpu.memory_space<vmem>>, %arg13: memref<1024xf32, #tpu.memory_space<vmem_shared>>, %arg14: memref<!tpu.dma_semaphore, #tpu.memory_space<semaphore_mem>>, %arg15: memref<!tpu.dma_semaphore, #tpu.memory_space<semaphore_mem>>) attributes {dimension_semantics = [#tpu.dimension_semantics<core_parallel>, #tpu.dimension_semantics<subcore_parallel>], iteration_bounds = array<i64: 2, 16>, scalar_prefetch = 0 : i64, scratch_operands = 10 : i64, tpu.core_type = #tpu.core_type<sc_vector_subcore>, window_params = [{transform_indices = #map}, {transform_indices = #map1}, {transform_indices = #map}, {transform_indices = #map1}]} {
    %mul3A = arith.constant 16 : i32
    %mul3A_0 = arith.muli %arg0, %mul3A : i32
    %add3A = arith.addi %mul3A_0, %arg1 : i32
    %mul3A_1 = arith.constant 512 : i32
    %mul3A_2 = arith.muli %add3A, %mul3A_1 : i32
    %broadcast_in_dim3A = arith.constant 0.000000e+00 : f32
    %broadcast_in_dim3A_3 = vector.broadcast %broadcast_in_dim3A : f32 to vector<16xf32>
    %broadcast_in_dim3A_4 = arith.constant 1.000000e+00 : f32
    %broadcast_in_dim3A_5 = vector.broadcast %broadcast_in_dim3A_4 : f32 to vector<16xf32>
    %swap3A = arith.constant 0 : index
    %swap3A_6 = tpu.vector_load %arg8[%swap3A] {strides = array<i32>} : memref<128xf32, #tpu.memory_space<vmem>>, vector<16xf32>,
    tpu.vector_store %arg8[%swap3A], %broadcast_in_dim3A_5 {strides = array<i32>} : memref<128xf32, #tpu.memory_space<vmem>>, vector<16xf32>,
    %swap3A_7 = arith.constant 16 : index
    %swap3A_8 = tpu.vector_load %arg8[%swap3A_7] {strides = array<i32>} : memref<128xf32, #tpu.memory_space<vmem>>, vector<16xf32>,
    tpu.vector_store %arg8[%swap3A_7], %broadcast_in_dim3A_5 {strides = array<i32>} : memref<128xf32, #tpu.memory_space<vmem>>, vector<16xf32>,
    %swap3A_9 = arith.constant 32 : index
    %swap3A_10 = tpu.vector_load %arg8[%swap3A_9] {strides = array<i32>} : memref<128xf32, #tpu.memory_space<vmem>>, vector<16xf32>,
    tpu.vector_store %arg8[%swap3A_9], %broadcast_in_dim3A_5 {strides = array<i32>} : memref<128xf32, #tpu.memory_space<vmem>>, vector<16xf32>,
    %swap3A_11 = arith.constant 48 : index
    %swap3A_12 = tpu.vector_load %arg8[%swap3A_11] {strides = array<i32>} : memref<128xf32, #tpu.memory_space<vmem>>, vector<16xf32>,
    tpu.vector_store %arg8[%swap3A_11], %broadcast_in_dim3A_5 {strides = array<i32>} : memref<128xf32, #tpu.memory_space<vmem>>, vector<16xf32>,
    %swap3A_13 = arith.constant 64 : index
    %swap3A_14 = tpu.vector_load %arg8[%swap3A_13] {strides = array<i32>} : memref<128xf32, #tpu.memory_space<vmem>>, vector<16xf32>,
    tpu.vector_store %arg8[%swap3A_13], %broadcast_in_dim3A_5 {strides = array<i32>} : memref<128xf32, #tpu.memory_space<vmem>>, vector<16xf32>,
    %swap3A_15 = arith.constant 80 : index
    %swap3A_16 = tpu.vector_load %arg8[%swap3A_15] {strides = array<i32>} : memref<128xf32, #tpu.memory_space<vmem>>, vector<16xf32>,
    tpu.vector_store %arg8[%swap3A_15], %broadcast_in_dim3A_5 {strides = array<i32>} : memref<128xf32, #tpu.memory_space<vmem>>, vector<16xf32>,
    %swap3A_17 = arith.constant 96 : index
    %swap3A_18 = tpu.vector_load %arg8[%swap3A_17] {strides = array<i32>} : memref<128xf32, #tpu.memory_space<vmem>>, vector<16xf32>,
    tpu.vector_store %arg8[%swap3A_17], %broadcast_in_dim3A_5 {strides = array<i32>} : memref<128xf32, #tpu.memory_space<vmem>>, vector<16xf32>,
    %swap3A_19 = arith.constant 112 : index
    %swap3A_20 = tpu.vector_load %arg8[%swap3A_19] {strides = array<i32>} : memref<128xf32, #tpu.memory_space<vmem>>, vector<16xf32>,
    tpu.vector_store %arg8[%swap3A_19], %broadcast_in_dim3A_5 {strides = array<i32>} : memref<128xf32, #tpu.memory_space<vmem>>, vector<16xf32>,
    %swap3A_21 = arith.constant 0 : index
    %swap3A_22 = tpu.vector_load %arg9[%swap3A_21] {strides = array<i32>} : memref<1024xf32, #tpu.memory_space<vmem>>, vector<16xf32>,
    tpu.vector_store %arg9[%swap3A_21], %broadcast_in_dim3A_3 {strides = array<i32>} : memref<1024xf32, #tpu.memory_space<vmem>>, vector<16xf32>,
    %swap3A_23 = arith.constant 16 : index
    %swap3A_24 = tpu.vector_load %arg9[%swap3A_23] {strides = array<i32>} : memref<1024xf32, #tpu.memory_space<vmem>>, vector<16xf32>,
    tpu.vector_store %arg9[%swap3A_23], %broadcast_in_dim3A_3 {strides = array<i32>} : memref<1024xf32, #tpu.memory_space<vmem>>, vector<16xf32>,
    %swap3A_25 = arith.constant 32 : index
    %swap3A_26 = tpu.vector_load %arg9[%swap3A_25] {strides = array<i32>} : memref<1024xf32, #tpu.memory_space<vmem>>, vector<16xf32>,
    tpu.vector_store %arg9[%swap3A_25], %broadcast_in_dim3A_3 {strides = array<i32>} : memref<1024xf32, #tpu.memory_space<vmem>>, vector<16xf32>,
    %swap3A_27 = arith.constant 48 : index
    %swap3A_28 = tpu.vector_load %arg9[%swap3A_27] {strides = array<i32>} : memref<1024xf32, #tpu.memory_space<vmem>>, vector<16xf32>,
    tpu.vector_store %arg9[%swap3A_27], %broadcast_in_dim3A_3 {strides = array<i32>} : memref<1024xf32, #tpu.memory_space<vmem>>, vector<16xf32>,
    %swap3A_29 = arith.constant 64 : index
    %swap3A_30 = tpu.vector_load %arg9[%swap3A_29] {strides = array<i32>} : memref<1024xf32, #tpu.memory_space<vmem>>, vector<16xf32>,
    tpu.vector_store %arg9[%swap3A_29], %broadcast_in_dim3A_3 {strides = array<i32>} : memref<1024xf32, #tpu.memory_space<vmem>>, vector<16xf32>,
    %swap3A_31 = arith.constant 80 : index
    %swap3A_32 = tpu.vector_load %arg9[%swap3A_31] {strides = array<i32>} : memref<1024xf32, #tpu.memory_space<vmem>>, vector<16xf32>,
    tpu.vector_store %arg9[%swap3A_31], %broadcast_in_dim3A_3 {strides = array<i32>} : memref<1024xf32, #tpu.memory_space<vmem>>, vector<16xf32>,
    %swap3A_33 = arith.constant 96 : index
    %swap3A_34 = tpu.vector_load %arg9[%swap3A_33] {strides = array<i32>} : memref<1024xf32, #tpu.memory_space<vmem>>, vector<16xf32>,
    tpu.vector_store %arg9[%swap3A_33], %broadcast_in_dim3A_3 {strides = array<i32>} : memref<1024xf32, #tpu.memory_space<vmem>>, vector<16xf32>,
    %swap3A_35 = arith.constant 112 : index
    %swap3A_36 = tpu.vector_load %arg9[%swap3A_35] {strides = array<i32>} : memref<1024xf32, #tpu.memory_space<vmem>>, vector<16xf32>,
    tpu.vector_store %arg9[%swap3A_35], %broadcast_in_dim3A_3 {strides = array<i32>} : memref<1024xf32, #tpu.memory_space<vmem>>, vector<16xf32>,
    %swap3A_37 = arith.constant 128 : index
    %swap3A_38 = tpu.vector_load %arg9[%swap3A_37] {strides = array<i32>} : memref<1024xf32, #tpu.memory_space<vmem>>, vector<16xf32>,
    tpu.vector_store %arg9[%swap3A_37], %broadcast_in_dim3A_3 {strides = array<i32>} : memref<1024xf32, #tpu.memory_space<vmem>>, vector<16xf32>,
    %swap3A_39 = arith.constant 144 : index
    %swap3A_40 = tpu.vector_load %arg9[%swap3A_39] {strides = array<i32>} : memref<1024xf32, #tpu.memory_space<vmem>>, vector<16xf32>,
    tpu.vector_store %arg9[%swap3A_39], %broadcast_in_dim3A_3 {strides = array<i32>} : memref<1024xf32, #tpu.memory_space<vmem>>, vector<16xf32>,
    %swap3A_41 = arith.constant 160 : index
    %swap3A_42 = tpu.vector_load %arg9[%swap3A_41] {strides = array<i32>} : memref<1024xf32, #tpu.memory_space<vmem>>, vector<16xf32>,
    tpu.vector_store %arg9[%swap3A_41], %broadcast_in_dim3A_3 {strides = array<i32>} : memref<1024xf32, #tpu.memory_space<vmem>>, vector<16xf32>,
    %swap3A_43 = arith.constant 176 : index
    %swap3A_44 = tpu.vector_load %arg9[%swap3A_43] {strides = array<i32>} : memref<1024xf32, #tpu.memory_space<vmem>>, vector<16xf32>,
    tpu.vector_store %arg9[%swap3A_43], %broadcast_in_dim3A_3 {strides = array<i32>} : memref<1024xf32, #tpu.memory_space<vmem>>, vector<16xf32>,
    %swap3A_45 = arith.constant 192 : index
    %swap3A_46 = tpu.vector_load %arg9[%swap3A_45] {strides = array<i32>} : memref<1024xf32, #tpu.memory_space<vmem>>, vector<16xf32>,
    tpu.vector_store %arg9[%swap3A_45], %broadcast_in_dim3A_3 {strides = array<i32>} : memref<1024xf32, #tpu.memory_space<vmem>>, vector<16xf32>,
    %swap3A_47 = arith.constant 208 : index
    %swap3A_48 = tpu.vector_load %arg9[%swap3A_47] {strides = array<i32>} : memref<1024xf32, #tpu.memory_space<vmem>>, vector<16xf32>,
    tpu.vector_store %arg9[%swap3A_47], %broadcast_in_dim3A_3 {strides = array<i32>} : memref<1024xf32, #tpu.memory_space<vmem>>, vector<16xf32>,
    %swap3A_49 = arith.constant 224 : index
    %swap3A_50 = tpu.vector_load %arg9[%swap3A_49] {strides = array<i32>} : memref<1024xf32, #tpu.memory_space<vmem>>, vector<16xf32>,
    tpu.vector_store %arg9[%swap3A_49], %broadcast_in_dim3A_3 {strides = array<i32>} : memref<1024xf32, #tpu.memory_space<vmem>>, vector<16xf32>,
    %swap3A_51 = arith.constant 240 : index
    %swap3A_52 = tpu.vector_load %arg9[%swap3A_51] {strides = array<i32>} : memref<1024xf32, #tpu.memory_space<vmem>>, vector<16xf32>,
    tpu.vector_store %arg9[%swap3A_51], %broadcast_in_dim3A_3 {strides = array<i32>} : memref<1024xf32, #tpu.memory_space<vmem>>, vector<16xf32>,
    %swap3A_53 = arith.constant 256 : index
    %swap3A_54 = tpu.vector_load %arg9[%swap3A_53] {strides = array<i32>} : memref<1024xf32, #tpu.memory_space<vmem>>, vector<16xf32>,
    tpu.vector_store %arg9[%swap3A_53], %broadcast_in_dim3A_3 {strides = array<i32>} : memref<1024xf32, #tpu.memory_space<vmem>>, vector<16xf32>,
    %swap3A_55 = arith.constant 272 : index
    %swap3A_56 = tpu.vector_load %arg9[%swap3A_55] {strides = array<i32>} : memref<1024xf32, #tpu.memory_space<vmem>>, vector<16xf32>,
    tpu.vector_store %arg9[%swap3A_55], %broadcast_in_dim3A_3 {strides = array<i32>} : memref<1024xf32, #tpu.memory_space<vmem>>, vector<16xf32>,
    %swap3A_57 = arith.constant 288 : index
    %swap3A_58 = tpu.vector_load %arg9[%swap3A_57] {strides = array<i32>} : memref<1024xf32, #tpu.memory_space<vmem>>, vector<16xf32>,
    tpu.vector_store %arg9[%swap3A_57], %broadcast_in_dim3A_3 {strides = array<i32>} : memref<1024xf32, #tpu.memory_space<vmem>>, vector<16xf32>,
    %swap3A_59 = arith.constant 304 : index
    %swap3A_60 = tpu.vector_load %arg9[%swap3A_59] {strides = array<i32>} : memref<1024xf32, #tpu.memory_space<vmem>>, vector<16xf32>,
    tpu.vector_store %arg9[%swap3A_59], %broadcast_in_dim3A_3 {strides = array<i32>} : memref<1024xf32, #tpu.memory_space<vmem>>, vector<16xf32>,
    %swap3A_61 = arith.constant 320 : index
    %swap3A_62 = tpu.vector_load %arg9[%swap3A_61] {strides = array<i32>} : memref<1024xf32, #tpu.memory_space<vmem>>, vector<16xf32>,
    tpu.vector_store %arg9[%swap3A_61], %broadcast_in_dim3A_3 {strides = array<i32>} : memref<1024xf32, #tpu.memory_space<vmem>>, vector<16xf32>,
    %swap3A_63 = arith.constant 336 : index
    %swap3A_64 = tpu.vector_load %arg9[%swap3A_63] {strides = array<i32>} : memref<1024xf32, #tpu.memory_space<vmem>>, vector<16xf32>,
    tpu.vector_store %arg9[%swap3A_63], %broadcast_in_dim3A_3 {strides = array<i32>} : memref<1024xf32, #tpu.memory_space<vmem>>, vector<16xf32>,
    %swap3A_65 = arith.constant 352 : index
    %swap3A_66 = tpu.vector_load %arg9[%swap3A_65] {strides = array<i32>} : memref<1024xf32, #tpu.memory_space<vmem>>, vector<16xf32>,
    tpu.vector_store %arg9[%swap3A_65], %broadcast_in_dim3A_3 {strides = array<i32>} : memref<1024xf32, #tpu.memory_space<vmem>>, vector<16xf32>,
    %swap3A_67 = arith.constant 368 : index
    %swap3A_68 = tpu.vector_load %arg9[%swap3A_67] {strides = array<i32>} : memref<1024xf32, #tpu.memory_space<vmem>>, vector<16xf32>,
    tpu.vector_store %arg9[%swap3A_67], %broadcast_in_dim3A_3 {strides = array<i32>} : memref<1024xf32, #tpu.memory_space<vmem>>, vector<16xf32>,
    %swap3A_69 = arith.constant 384 : index
    %swap3A_70 = tpu.vector_load %arg9[%swap3A_69] {strides = array<i32>} : memref<1024xf32, #tpu.memory_space<vmem>>, vector<16xf32>,
    tpu.vector_store %arg9[%swap3A_69], %broadcast_in_dim3A_3 {strides = array<i32>} : memref<1024xf32, #tpu.memory_space<vmem>>, vector<16xf32>,
    %swap3A_71 = arith.constant 400 : index
    %swap3A_72 = tpu.vector_load %arg9[%swap3A_71] {strides = array<i32>} : memref<1024xf32, #tpu.memory_space<vmem>>, vector<16xf32>,
    tpu.vector_store %arg9[%swap3A_71], %broadcast_in_dim3A_3 {strides = array<i32>} : memref<1024xf32, #tpu.memory_space<vmem>>, vector<16xf32>,
    %swap3A_73 = arith.constant 416 : index
    %swap3A_74 = tpu.vector_load %arg9[%swap3A_73] {strides = array<i32>} : memref<1024xf32, #tpu.memory_space<vmem>>, vector<16xf32>,
    tpu.vector_store %arg9[%swap3A_73], %broadcast_in_dim3A_3 {strides = array<i32>} : memref<1024xf32, #tpu.memory_space<vmem>>, vector<16xf32>,
    %swap3A_75 = arith.constant 432 : index
    %swap3A_76 = tpu.vector_load %arg9[%swap3A_75] {strides = array<i32>} : memref<1024xf32, #tpu.memory_space<vmem>>, vector<16xf32>,
    tpu.vector_store %arg9[%swap3A_75], %broadcast_in_dim3A_3 {strides = array<i32>} : memref<1024xf32, #tpu.memory_space<vmem>>, vector<16xf32>,
    %swap3A_77 = arith.constant 448 : index
    %swap3A_78 = tpu.vector_load %arg9[%swap3A_77] {strides = array<i32>} : memref<1024xf32, #tpu.memory_space<vmem>>, vector<16xf32>,
    tpu.vector_store %arg9[%swap3A_77], %broadcast_in_dim3A_3 {strides = array<i32>} : memref<1024xf32, #tpu.memory_space<vmem>>, vector<16xf32>,
    %swap3A_79 = arith.constant 464 : index
    %swap3A_80 = tpu.vector_load %arg9[%swap3A_79] {strides = array<i32>} : memref<1024xf32, #tpu.memory_space<vmem>>, vector<16xf32>,
    tpu.vector_store %arg9[%swap3A_79], %broadcast_in_dim3A_3 {strides = array<i32>} : memref<1024xf32, #tpu.memory_space<vmem>>, vector<16xf32>,
    %swap3A_81 = arith.constant 480 : index
    %swap3A_82 = tpu.vector_load %arg9[%swap3A_81] {strides = array<i32>} : memref<1024xf32, #tpu.memory_space<vmem>>, vector<16xf32>,
    tpu.vector_store %arg9[%swap3A_81], %broadcast_in_dim3A_3 {strides = array<i32>} : memref<1024xf32, #tpu.memory_space<vmem>>, vector<16xf32>,
    %swap3A_83 = arith.constant 496 : index
    %swap3A_84 = tpu.vector_load %arg9[%swap3A_83] {strides = array<i32>} : memref<1024xf32, #tpu.memory_space<vmem>>, vector<16xf32>,
    tpu.vector_store %arg9[%swap3A_83], %broadcast_in_dim3A_3 {strides = array<i32>} : memref<1024xf32, #tpu.memory_space<vmem>>, vector<16xf32>,
    %swap3A_85 = arith.constant 512 : index
    %swap3A_86 = tpu.vector_load %arg9[%swap3A_85] {strides = array<i32>} : memref<1024xf32, #tpu.memory_space<vmem>>, vector<16xf32>,
    tpu.vector_store %arg9[%swap3A_85], %broadcast_in_dim3A_3 {strides = array<i32>} : memref<1024xf32, #tpu.memory_space<vmem>>, vector<16xf32>,
    %swap3A_87 = arith.constant 528 : index
    %swap3A_88 = tpu.vector_load %arg9[%swap3A_87] {strides = array<i32>} : memref<1024xf32, #tpu.memory_space<vmem>>, vector<16xf32>,
    tpu.vector_store %arg9[%swap3A_87], %broadcast_in_dim3A_3 {strides = array<i32>} : memref<1024xf32, #tpu.memory_space<vmem>>, vector<16xf32>,
    %swap3A_89 = arith.constant 544 : index
    %swap3A_90 = tpu.vector_load %arg9[%swap3A_89] {strides = array<i32>} : memref<1024xf32, #tpu.memory_space<vmem>>, vector<16xf32>,
    tpu.vector_store %arg9[%swap3A_89], %broadcast_in_dim3A_3 {strides = array<i32>} : memref<1024xf32, #tpu.memory_space<vmem>>, vector<16xf32>,
    %swap3A_91 = arith.constant 560 : index
    %swap3A_92 = tpu.vector_load %arg9[%swap3A_91] {strides = array<i32>} : memref<1024xf32, #tpu.memory_space<vmem>>, vector<16xf32>,
    tpu.vector_store %arg9[%swap3A_91], %broadcast_in_dim3A_3 {strides = array<i32>} : memref<1024xf32, #tpu.memory_space<vmem>>, vector<16xf32>,
    %swap3A_93 = arith.constant 576 : index
    %swap3A_94 = tpu.vector_load %arg9[%swap3A_93] {strides = array<i32>} : memref<1024xf32, #tpu.memory_space<vmem>>, vector<16xf32>,
    tpu.vector_store %arg9[%swap3A_93], %broadcast_in_dim3A_3 {strides = array<i32>} : memref<1024xf32, #tpu.memory_space<vmem>>, vector<16xf32>,
    %swap3A_95 = arith.constant 592 : index
    %swap3A_96 = tpu.vector_load %arg9[%swap3A_95] {strides = array<i32>} : memref<1024xf32, #tpu.memory_space<vmem>>, vector<16xf32>,
    tpu.vector_store %arg9[%swap3A_95], %broadcast_in_dim3A_3 {strides = array<i32>} : memref<1024xf32, #tpu.memory_space<vmem>>, vector<16xf32>,
    %swap3A_97 = arith.constant 608 : index
    %swap3A_98 = tpu.vector_load %arg9[%swap3A_97] {strides = array<i32>} : memref<1024xf32, #tpu.memory_space<vmem>>, vector<16xf32>,
    tpu.vector_store %arg9[%swap3A_97], %broadcast_in_dim3A_3 {strides = array<i32>} : memref<1024xf32, #tpu.memory_space<vmem>>, vector<16xf32>,
    %swap3A_99 = arith.constant 624 : index
    %swap3A_100 = tpu.vector_load %arg9[%swap3A_99] {strides = array<i32>} : memref<1024xf32, #tpu.memory_space<vmem>>, vector<16xf32>,
    tpu.vector_store %arg9[%swap3A_99], %broadcast_in_dim3A_3 {strides = array<i32>} : memref<1024xf32, #tpu.memory_space<vmem>>, vector<16xf32>,
    %swap3A_101 = arith.constant 640 : index
    %swap3A_102 = tpu.vector_load %arg9[%swap3A_101] {strides = array<i32>} : memref<1024xf32, #tpu.memory_space<vmem>>, vector<16xf32>,
    tpu.vector_store %arg9[%swap3A_101], %broadcast_in_dim3A_3 {strides = array<i32>} : memref<1024xf32, #tpu.memory_space<vmem>>, vector<16xf32>,
    %swap3A_103 = arith.constant 656 : index
    %swap3A_104 = tpu.vector_load %arg9[%swap3A_103] {strides = array<i32>} : memref<1024xf32, #tpu.memory_space<vmem>>, vector<16xf32>,
    tpu.vector_store %arg9[%swap3A_103], %broadcast_in_dim3A_3 {strides = array<i32>} : memref<1024xf32, #tpu.memory_space<vmem>>, vector<16xf32>,
    %swap3A_105 = arith.constant 672 : index
    %swap3A_106 = tpu.vector_load %arg9[%swap3A_105] {strides = array<i32>} : memref<1024xf32, #tpu.memory_space<vmem>>, vector<16xf32>,
    tpu.vector_store %arg9[%swap3A_105], %broadcast_in_dim3A_3 {strides = array<i32>} : memref<1024xf32, #tpu.memory_space<vmem>>, vector<16xf32>,
    %swap3A_107 = arith.constant 688 : index
    %swap3A_108 = tpu.vector_load %arg9[%swap3A_107] {strides = array<i32>} : memref<1024xf32, #tpu.memory_space<vmem>>, vector<16xf32>,
    tpu.vector_store %arg9[%swap3A_107], %broadcast_in_dim3A_3 {strides = array<i32>} : memref<1024xf32, #tpu.memory_space<vmem>>, vector<16xf32>,
    %swap3A_109 = arith.constant 704 : index
    %swap3A_110 = tpu.vector_load %arg9[%swap3A_109] {strides = array<i32>} : memref<1024xf32, #tpu.memory_space<vmem>>, vector<16xf32>,
    tpu.vector_store %arg9[%swap3A_109], %broadcast_in_dim3A_3 {strides = array<i32>} : memref<1024xf32, #tpu.memory_space<vmem>>, vector<16xf32>,
    %swap3A_111 = arith.constant 720 : index
    %swap3A_112 = tpu.vector_load %arg9[%swap3A_111] {strides = array<i32>} : memref<1024xf32, #tpu.memory_space<vmem>>, vector<16xf32>,
    tpu.vector_store %arg9[%swap3A_111], %broadcast_in_dim3A_3 {strides = array<i32>} : memref<1024xf32, #tpu.memory_space<vmem>>, vector<16xf32>,
    %swap3A_113 = arith.constant 736 : index
    %swap3A_114 = tpu.vector_load %arg9[%swap3A_113] {strides = array<i32>} : memref<1024xf32, #tpu.memory_space<vmem>>, vector<16xf32>,
    tpu.vector_store %arg9[%swap3A_113], %broadcast_in_dim3A_3 {strides = array<i32>} : memref<1024xf32, #tpu.memory_space<vmem>>, vector<16xf32>,
    %swap3A_115 = arith.constant 752 : index
    %swap3A_116 = tpu.vector_load %arg9[%swap3A_115] {strides = array<i32>} : memref<1024xf32, #tpu.memory_space<vmem>>, vector<16xf32>,
    tpu.vector_store %arg9[%swap3A_115], %broadcast_in_dim3A_3 {strides = array<i32>} : memref<1024xf32, #tpu.memory_space<vmem>>, vector<16xf32>,
    %swap3A_117 = arith.constant 768 : index
    %swap3A_118 = tpu.vector_load %arg9[%swap3A_117] {strides = array<i32>} : memref<1024xf32, #tpu.memory_space<vmem>>, vector<16xf32>,
    tpu.vector_store %arg9[%swap3A_117], %broadcast_in_dim3A_3 {strides = array<i32>} : memref<1024xf32, #tpu.memory_space<vmem>>, vector<16xf32>,
    %swap3A_119 = arith.constant 784 : index
    %swap3A_120 = tpu.vector_load %arg9[%swap3A_119] {strides = array<i32>} : memref<1024xf32, #tpu.memory_space<vmem>>, vector<16xf32>,
    tpu.vector_store %arg9[%swap3A_119], %broadcast_in_dim3A_3 {strides = array<i32>} : memref<1024xf32, #tpu.memory_space<vmem>>, vector<16xf32>,
    %swap3A_121 = arith.constant 800 : index
    %swap3A_122 = tpu.vector_load %arg9[%swap3A_121] {strides = array<i32>} : memref<1024xf32, #tpu.memory_space<vmem>>, vector<16xf32>,
    tpu.vector_store %arg9[%swap3A_121], %broadcast_in_dim3A_3 {strides = array<i32>} : memref<1024xf32, #tpu.memory_space<vmem>>, vector<16xf32>,
    %swap3A_123 = arith.constant 816 : index
    %swap3A_124 = tpu.vector_load %arg9[%swap3A_123] {strides = array<i32>} : memref<1024xf32, #tpu.memory_space<vmem>>, vector<16xf32>,
    tpu.vector_store %arg9[%swap3A_123], %broadcast_in_dim3A_3 {strides = array<i32>} : memref<1024xf32, #tpu.memory_space<vmem>>, vector<16xf32>,
    %swap3A_125 = arith.constant 832 : index
    %swap3A_126 = tpu.vector_load %arg9[%swap3A_125] {strides = array<i32>} : memref<1024xf32, #tpu.memory_space<vmem>>, vector<16xf32>,
    tpu.vector_store %arg9[%swap3A_125], %broadcast_in_dim3A_3 {strides = array<i32>} : memref<1024xf32, #tpu.memory_space<vmem>>, vector<16xf32>,
    %swap3A_127 = arith.constant 848 : index
    %swap3A_128 = tpu.vector_load %arg9[%swap3A_127] {strides = array<i32>} : memref<1024xf32, #tpu.memory_space<vmem>>, vector<16xf32>,
    tpu.vector_store %arg9[%swap3A_127], %broadcast_in_dim3A_3 {strides = array<i32>} : memref<1024xf32, #tpu.memory_space<vmem>>, vector<16xf32>,
    %swap3A_129 = arith.constant 864 : index
    %swap3A_130 = tpu.vector_load %arg9[%swap3A_129] {strides = array<i32>} : memref<1024xf32, #tpu.memory_space<vmem>>, vector<16xf32>,
    tpu.vector_store %arg9[%swap3A_129], %broadcast_in_dim3A_3 {strides = array<i32>} : memref<1024xf32, #tpu.memory_space<vmem>>, vector<16xf32>,
    %swap3A_131 = arith.constant 880 : index
    %swap3A_132 = tpu.vector_load %arg9[%swap3A_131] {strides = array<i32>} : memref<1024xf32, #tpu.memory_space<vmem>>, vector<16xf32>,
    tpu.vector_store %arg9[%swap3A_131], %broadcast_in_dim3A_3 {strides = array<i32>} : memref<1024xf32, #tpu.memory_space<vmem>>, vector<16xf32>,
    %swap3A_133 = arith.constant 896 : index
    %swap3A_134 = tpu.vector_load %arg9[%swap3A_133] {strides = array<i32>} : memref<1024xf32, #tpu.memory_space<vmem>>, vector<16xf32>,
    tpu.vector_store %arg9[%swap3A_133], %broadcast_in_dim3A_3 {strides = array<i32>} : memref<1024xf32, #tpu.memory_space<vmem>>, vector<16xf32>,
    %swap3A_135 = arith.constant 912 : index
    %swap3A_136 = tpu.vector_load %arg9[%swap3A_135] {strides = array<i32>} : memref<1024xf32, #tpu.memory_space<vmem>>, vector<16xf32>,
    tpu.vector_store %arg9[%swap3A_135], %broadcast_in_dim3A_3 {strides = array<i32>} : memref<1024xf32, #tpu.memory_space<vmem>>, vector<16xf32>,
    %swap3A_137 = arith.constant 928 : index
    %swap3A_138 = tpu.vector_load %arg9[%swap3A_137] {strides = array<i32>} : memref<1024xf32, #tpu.memory_space<vmem>>, vector<16xf32>,
    tpu.vector_store %arg9[%swap3A_137], %broadcast_in_dim3A_3 {strides = array<i32>} : memref<1024xf32, #tpu.memory_space<vmem>>, vector<16xf32>,
    %swap3A_139 = arith.constant 944 : index
    %swap3A_140 = tpu.vector_load %arg9[%swap3A_139] {strides = array<i32>} : memref<1024xf32, #tpu.memory_space<vmem>>, vector<16xf32>,
    tpu.vector_store %arg9[%swap3A_139], %broadcast_in_dim3A_3 {strides = array<i32>} : memref<1024xf32, #tpu.memory_space<vmem>>, vector<16xf32>,
    %swap3A_141 = arith.constant 960 : index
    %swap3A_142 = tpu.vector_load %arg9[%swap3A_141] {strides = array<i32>} : memref<1024xf32, #tpu.memory_space<vmem>>, vector<16xf32>,
    tpu.vector_store %arg9[%swap3A_141], %broadcast_in_dim3A_3 {strides = array<i32>} : memref<1024xf32, #tpu.memory_space<vmem>>, vector<16xf32>,
    %swap3A_143 = arith.constant 976 : index
    %swap3A_144 = tpu.vector_load %arg9[%swap3A_143] {strides = array<i32>} : memref<1024xf32, #tpu.memory_space<vmem>>, vector<16xf32>,
    tpu.vector_store %arg9[%swap3A_143], %broadcast_in_dim3A_3 {strides = array<i32>} : memref<1024xf32, #tpu.memory_space<vmem>>, vector<16xf32>,
    %swap3A_145 = arith.constant 992 : index
    %swap3A_146 = tpu.vector_load %arg9[%swap3A_145] {strides = array<i32>} : memref<1024xf32, #tpu.memory_space<vmem>>, vector<16xf32>,
    tpu.vector_store %arg9[%swap3A_145], %broadcast_in_dim3A_3 {strides = array<i32>} : memref<1024xf32, #tpu.memory_space<vmem>>, vector<16xf32>,
    %swap3A_147 = arith.constant 1008 : index
    %swap3A_148 = tpu.vector_load %arg9[%swap3A_147] {strides = array<i32>} : memref<1024xf32, #tpu.memory_space<vmem>>, vector<16xf32>,
    tpu.vector_store %arg9[%swap3A_147], %broadcast_in_dim3A_3 {strides = array<i32>} : memref<1024xf32, #tpu.memory_space<vmem>>, vector<16xf32>,
    "tpu.region"() ({
      %run_scoped3A_403 = tpu.sem_alloc : memref<!tpu.dma_semaphore, #tpu.memory_space<semaphore_mem>>
      %dma_start3A_404 = tpu.memref_slice %arg3[%mul3A_2] : memref<16384xi32, #tpu.memory_space<hbm>> -> memref<512xi32, #tpu.memory_space<hbm>>
      %dma_start3A_405 = tpu.memref_slice %arg3[%mul3A_2] : memref<16384xi32, #tpu.memory_space<hbm>> -> memref<512xi32, #tpu.memory_space<hbm>>
      tpu.enqueue_dma source(%dma_start3A_405 : memref<512xi32, #tpu.memory_space<hbm>>) target(%arg7 : memref<512xi32, #tpu.memory_space<vmem>>) target_semaphore(%run_scoped3A_403 : memref<!tpu.dma_semaphore, #tpu.memory_space<semaphore_mem>>)
      %dma_wait3A_406 = tpu.memref_slice %arg3[%mul3A_2] : memref<16384xi32, #tpu.memory_space<hbm>> -> memref<512xi32, #tpu.memory_space<hbm>>
      %dma_wait3A_407 = tpu.memref_slice %arg3[%mul3A_2] : memref<16384xi32, #tpu.memory_space<hbm>> -> memref<512xi32, #tpu.memory_space<hbm>>
      tpu.wait_dma2 semaphore(%run_scoped3A_403 : memref<!tpu.dma_semaphore, #tpu.memory_space<semaphore_mem>>) src(%dma_wait3A_407 : memref<512xi32, #tpu.memory_space<hbm>>) dst(%arg7 : memref<512xi32, #tpu.memory_space<vmem>>)
      tpu.yield
    }) : () -> ()
    %dma_start3A = arith.constant 0 : i32
    %dma_start3A_149 = tpu.memref_slice %arg7[%dma_start3A] : memref<512xi32, #tpu.memory_space<vmem>> -> memref<128xi32, #tpu.memory_space<vmem>>
    %dma_start3A_150 = arith.constant 0 : i32
    %dma_start3A_151 = arith.constant 0 : i32
    %dma_start3A_152 = tpu.memref_slice %arg2[%dma_start3A_150, %dma_start3A_151] : memref<1000x256xi32, #tpu.memory_space<hbm>> -> memref<1000x256xi32, #tpu.memory_space<hbm>>
    tpu.enqueue_indirect_dma source(%dma_start3A_152 : memref<1000x256xi32, #tpu.memory_space<hbm>>) target(%arg11 : memref<128x256xi32, #tpu.memory_space<vmem>>) offsets(%dma_start3A_149 : memref<128xi32, #tpu.memory_space<vmem>>) semaphore(%arg14 : memref<!tpu.dma_semaphore, #tpu.memory_space<semaphore_mem>>)
    %dma_start3A_153 = arith.constant 128 : i32
    %dma_start3A_154 = tpu.memref_slice %arg7[%dma_start3A_153] : memref<512xi32, #tpu.memory_space<vmem>> -> memref<128xi32, #tpu.memory_space<vmem>>
    %dma_start3A_155 = arith.constant 0 : i32
    %dma_start3A_156 = arith.constant 0 : i32
    %dma_start3A_157 = tpu.memref_slice %arg2[%dma_start3A_155, %dma_start3A_156] : memref<1000x256xi32, #tpu.memory_space<hbm>> -> memref<1000x256xi32, #tpu.memory_space<hbm>>
    tpu.enqueue_indirect_dma source(%dma_start3A_157 : memref<1000x256xi32, #tpu.memory_space<hbm>>) target(%arg12 : memref<128x256xi32, #tpu.memory_space<vmem>>) offsets(%dma_start3A_154 : memref<128xi32, #tpu.memory_space<vmem>>) semaphore(%arg15 : memref<!tpu.dma_semaphore, #tpu.memory_space<semaphore_mem>>)
    %eq3A = arith.constant 0 : i32
    %eq3A_158 = arith.cmpi eq, %arg1, %eq3A : i32
    %convert_element_type3A = arith.extui %eq3A_158 : i1 to i32
    %cond3A = arith.constant 0 : i32
    %cond3A_159 = arith.cmpi ne, %convert_element_type3A, %cond3A : i32
    scf.if %cond3A_159 {
      "tpu.region"() ({
        %run_scoped3A_403 = tpu.sem_alloc : memref<!tpu.dma_semaphore, #tpu.memory_space<semaphore_mem>>
        tpu.enqueue_dma source(%arg9 : memref<1024xf32, #tpu.memory_space<vmem>>) target(%arg13 : memref<1024xf32, #tpu.memory_space<vmem_shared>>) target_semaphore(%run_scoped3A_403 : memref<!tpu.dma_semaphore, #tpu.memory_space<semaphore_mem>>)
        tpu.wait_dma2 semaphore(%run_scoped3A_403 : memref<!tpu.dma_semaphore, #tpu.memory_space<semaphore_mem>>) src(%arg9 : memref<1024xf32, #tpu.memory_space<vmem>>) dst(%arg13 : memref<1024xf32, #tpu.memory_space<vmem_shared>>)
        tpu.yield
      }) : () -> ()
    } else {
    }
    %barrier3A = arith.constant 0 : index
    tpu.barrier barrier_id(%barrier3A)
    %mul3A_160 = arith.constant 1024 : i32
    %mul3A_161 = arith.muli %arg1, %mul3A_160 : i32
    %add3A_162 = arith.constant 0 : i32
    %add3A_163 = arith.addi %mul3A_161, %add3A_162 : i32
    %run_scoped3A = arith.constant 0 : i32
    "tpu.region"() ({
      %run_scoped3A_403 = tpu.sem_alloc : memref<!tpu.dma_semaphore, #tpu.memory_space<semaphore_mem>>
      %dma_start3A_404 = arith.constant 0 : i32
      %dma_start3A_405 = tpu.memref_slice %arg6[%run_scoped3A, %dma_start3A_404] : memref<8x128xi32, #tpu.memory_space<vmem>> -> memref<1x128xi32, #tpu.memory_space<vmem>>
      %dma_start3A_406 = tpu.memref_squeeze %dma_start3A_405 : memref<1x128xi32, #tpu.memory_space<vmem>> -> memref<128xi32, #tpu.memory_space<vmem>>
      %dma_start3A_407 = tpu.memref_slice %arg3[%add3A_163] : memref<16384xi32, #tpu.memory_space<hbm>> -> memref<128xi32, #tpu.memory_space<hbm>>
      %dma_start3A_408 = arith.constant 0 : i32
      %dma_start3A_409 = tpu.memref_slice %arg6[%run_scoped3A, %dma_start3A_408] : memref<8x128xi32, #tpu.memory_space<vmem>> -> memref<1x128xi32, #tpu.memory_space<vmem>>
      %dma_start3A_410 = tpu.memref_squeeze %dma_start3A_409 : memref<1x128xi32, #tpu.memory_space<vmem>> -> memref<128xi32, #tpu.memory_space<vmem>>
      %dma_start3A_411 = tpu.memref_slice %arg3[%add3A_163] : memref<16384xi32, #tpu.memory_space<hbm>> -> memref<128xi32, #tpu.memory_space<hbm>>
      tpu.enqueue_dma source(%dma_start3A_411 : memref<128xi32, #tpu.memory_space<hbm>>) target(%dma_start3A_410 : memref<128xi32, #tpu.memory_space<vmem>>) target_semaphore(%run_scoped3A_403 : memref<!tpu.dma_semaphore, #tpu.memory_space<semaphore_mem>>)
      %dma_wait3A_412 = arith.constant 0 : i32
      %dma_wait3A_413 = tpu.memref_slice %arg6[%run_scoped3A, %dma_wait3A_412] : memref<8x128xi32, #tpu.memory_space<vmem>> -> memref<1x128xi32, #tpu.memory_space<vmem>>
      %dma_wait3A_414 = tpu.memref_squeeze %dma_wait3A_413 : memref<1x128xi32, #tpu.memory_space<vmem>> -> memref<128xi32, #tpu.memory_space<vmem>>
      %dma_wait3A_415 = tpu.memref_slice %arg3[%add3A_163] : memref<16384xi32, #tpu.memory_space<hbm>> -> memref<128xi32, #tpu.memory_space<hbm>>
      %dma_wait3A_416 = arith.constant 0 : i32
      %dma_wait3A_417 = tpu.memref_slice %arg6[%run_scoped3A, %dma_wait3A_416] : memref<8x128xi32, #tpu.memory_space<vmem>> -> memref<1x128xi32, #tpu.memory_space<vmem>>
      %dma_wait3A_418 = tpu.memref_squeeze %dma_wait3A_417 : memref<1x128xi32, #tpu.memory_space<vmem>> -> memref<128xi32, #tpu.memory_space<vmem>>
      %dma_wait3A_419 = tpu.memref_slice %arg3[%add3A_163] : memref<16384xi32, #tpu.memory_space<hbm>> -> memref<128xi32, #tpu.memory_space<hbm>>
      tpu.wait_dma2 semaphore(%run_scoped3A_403 : memref<!tpu.dma_semaphore, #tpu.memory_space<semaphore_mem>>) src(%dma_wait3A_419 : memref<128xi32, #tpu.memory_space<hbm>>) dst(%dma_wait3A_418 : memref<128xi32, #tpu.memory_space<vmem>>)
      tpu.yield
    }) : () -> ()
    %mul3A_164 = arith.constant 1024 : i32
    %mul3A_165 = arith.muli %arg1, %mul3A_164 : i32
    %add3A_166 = arith.constant 128 : i32
    %add3A_167 = arith.addi %mul3A_165, %add3A_166 : i32
    %run_scoped3A_168 = arith.constant 1 : i32
    "tpu.region"() ({
      %run_scoped3A_403 = tpu.sem_alloc : memref<!tpu.dma_semaphore, #tpu.memory_space<semaphore_mem>>
      %dma_start3A_404 = arith.constant 0 : i32
      %dma_start3A_405 = tpu.memref_slice %arg6[%run_scoped3A_168, %dma_start3A_404] : memref<8x128xi32, #tpu.memory_space<vmem>> -> memref<1x128xi32, #tpu.memory_space<vmem>>
      %dma_start3A_406 = tpu.memref_squeeze %dma_start3A_405 : memref<1x128xi32, #tpu.memory_space<vmem>> -> memref<128xi32, #tpu.memory_space<vmem>>
      %dma_start3A_407 = tpu.memref_slice %arg3[%add3A_167] : memref<16384xi32, #tpu.memory_space<hbm>> -> memref<128xi32, #tpu.memory_space<hbm>>
      %dma_start3A_408 = arith.constant 0 : i32
      %dma_start3A_409 = tpu.memref_slice %arg6[%run_scoped3A_168, %dma_start3A_408] : memref<8x128xi32, #tpu.memory_space<vmem>> -> memref<1x128xi32, #tpu.memory_space<vmem>>
      %dma_start3A_410 = tpu.memref_squeeze %dma_start3A_409 : memref<1x128xi32, #tpu.memory_space<vmem>> -> memref<128xi32, #tpu.memory_space<vmem>>
      %dma_start3A_411 = tpu.memref_slice %arg3[%add3A_167] : memref<16384xi32, #tpu.memory_space<hbm>> -> memref<128xi32, #tpu.memory_space<hbm>>
      tpu.enqueue_dma source(%dma_start3A_411 : memref<128xi32, #tpu.memory_space<hbm>>) target(%dma_start3A_410 : memref<128xi32, #tpu.memory_space<vmem>>) target_semaphore(%run_scoped3A_403 : memref<!tpu.dma_semaphore, #tpu.memory_space<semaphore_mem>>)
      %dma_wait3A_412 = arith.constant 0 : i32
      %dma_wait3A_413 = tpu.memref_slice %arg6[%run_scoped3A_168, %dma_wait3A_412] : memref<8x128xi32, #tpu.memory_space<vmem>> -> memref<1x128xi32, #tpu.memory_space<vmem>>
      %dma_wait3A_414 = tpu.memref_squeeze %dma_wait3A_413 : memref<1x128xi32, #tpu.memory_space<vmem>> -> memref<128xi32, #tpu.memory_space<vmem>>
      %dma_wait3A_415 = tpu.memref_slice %arg3[%add3A_167] : memref<16384xi32, #tpu.memory_space<hbm>> -> memref<128xi32, #tpu.memory_space<hbm>>
      %dma_wait3A_416 = arith.constant 0 : i32
      %dma_wait3A_417 = tpu.memref_slice %arg6[%run_scoped3A_168, %dma_wait3A_416] : memref<8x128xi32, #tpu.memory_space<vmem>> -> memref<1x128xi32, #tpu.memory_space<vmem>>
      %dma_wait3A_418 = tpu.memref_squeeze %dma_wait3A_417 : memref<1x128xi32, #tpu.memory_space<vmem>> -> memref<128xi32, #tpu.memory_space<vmem>>
      %dma_wait3A_419 = tpu.memref_slice %arg3[%add3A_167] : memref<16384xi32, #tpu.memory_space<hbm>> -> memref<128xi32, #tpu.memory_space<hbm>>
      tpu.wait_dma2 semaphore(%run_scoped3A_403 : memref<!tpu.dma_semaphore, #tpu.memory_space<semaphore_mem>>) src(%dma_wait3A_419 : memref<128xi32, #tpu.memory_space<hbm>>) dst(%dma_wait3A_418 : memref<128xi32, #tpu.memory_space<vmem>>)
      tpu.yield
    }) : () -> ()
    %mul3A_169 = arith.constant 1024 : i32
    %mul3A_170 = arith.muli %arg1, %mul3A_169 : i32
    %add3A_171 = arith.constant 256 : i32
    %add3A_172 = arith.addi %mul3A_170, %add3A_171 : i32
    %run_scoped3A_173 = arith.constant 2 : i32
    "tpu.region"() ({
      %run_scoped3A_403 = tpu.sem_alloc : memref<!tpu.dma_semaphore, #tpu.memory_space<semaphore_mem>>
      %dma_start3A_404 = arith.constant 0 : i32
      %dma_start3A_405 = tpu.memref_slice %arg6[%run_scoped3A_173, %dma_start3A_404] : memref<8x128xi32, #tpu.memory_space<vmem>> -> memref<1x128xi32, #tpu.memory_space<vmem>>
      %dma_start3A_406 = tpu.memref_squeeze %dma_start3A_405 : memref<1x128xi32, #tpu.memory_space<vmem>> -> memref<128xi32, #tpu.memory_space<vmem>>
      %dma_start3A_407 = tpu.memref_slice %arg3[%add3A_172] : memref<16384xi32, #tpu.memory_space<hbm>> -> memref<128xi32, #tpu.memory_space<hbm>>
      %dma_start3A_408 = arith.constant 0 : i32
      %dma_start3A_409 = tpu.memref_slice %arg6[%run_scoped3A_173, %dma_start3A_408] : memref<8x128xi32, #tpu.memory_space<vmem>> -> memref<1x128xi32, #tpu.memory_space<vmem>>
      %dma_start3A_410 = tpu.memref_squeeze %dma_start3A_409 : memref<1x128xi32, #tpu.memory_space<vmem>> -> memref<128xi32, #tpu.memory_space<vmem>>
      %dma_start3A_411 = tpu.memref_slice %arg3[%add3A_172] : memref<16384xi32, #tpu.memory_space<hbm>> -> memref<128xi32, #tpu.memory_space<hbm>>
      tpu.enqueue_dma source(%dma_start3A_411 : memref<128xi32, #tpu.memory_space<hbm>>) target(%dma_start3A_410 : memref<128xi32, #tpu.memory_space<vmem>>) target_semaphore(%run_scoped3A_403 : memref<!tpu.dma_semaphore, #tpu.memory_space<semaphore_mem>>)
      %dma_wait3A_412 = arith.constant 0 : i32
      %dma_wait3A_413 = tpu.memref_slice %arg6[%run_scoped3A_173, %dma_wait3A_412] : memref<8x128xi32, #tpu.memory_space<vmem>> -> memref<1x128xi32, #tpu.memory_space<vmem>>
      %dma_wait3A_414 = tpu.memref_squeeze %dma_wait3A_413 : memref<1x128xi32, #tpu.memory_space<vmem>> -> memref<128xi32, #tpu.memory_space<vmem>>
      %dma_wait3A_415 = tpu.memref_slice %arg3[%add3A_172] : memref<16384xi32, #tpu.memory_space<hbm>> -> memref<128xi32, #tpu.memory_space<hbm>>
      %dma_wait3A_416 = arith.constant 0 : i32
      %dma_wait3A_417 = tpu.memref_slice %arg6[%run_scoped3A_173, %dma_wait3A_416] : memref<8x128xi32, #tpu.memory_space<vmem>> -> memref<1x128xi32, #tpu.memory_space<vmem>>
      %dma_wait3A_418 = tpu.memref_squeeze %dma_wait3A_417 : memref<1x128xi32, #tpu.memory_space<vmem>> -> memref<128xi32, #tpu.memory_space<vmem>>
      %dma_wait3A_419 = tpu.memref_slice %arg3[%add3A_172] : memref<16384xi32, #tpu.memory_space<hbm>> -> memref<128xi32, #tpu.memory_space<hbm>>
      tpu.wait_dma2 semaphore(%run_scoped3A_403 : memref<!tpu.dma_semaphore, #tpu.memory_space<semaphore_mem>>) src(%dma_wait3A_419 : memref<128xi32, #tpu.memory_space<hbm>>) dst(%dma_wait3A_418 : memref<128xi32, #tpu.memory_space<vmem>>)
      tpu.yield
    }) : () -> ()
    %mul3A_174 = arith.constant 1024 : i32
    %mul3A_175 = arith.muli %arg1, %mul3A_174 : i32
    %add3A_176 = arith.constant 384 : i32
    %add3A_177 = arith.addi %mul3A_175, %add3A_176 : i32
    %run_scoped3A_178 = arith.constant 3 : i32
    "tpu.region"() ({
      %run_scoped3A_403 = tpu.sem_alloc : memref<!tpu.dma_semaphore, #tpu.memory_space<semaphore_mem>>
      %dma_start3A_404 = arith.constant 0 : i32
      %dma_start3A_405 = tpu.memref_slice %arg6[%run_scoped3A_178, %dma_start3A_404] : memref<8x128xi32, #tpu.memory_space<vmem>> -> memref<1x128xi32, #tpu.memory_space<vmem>>
      %dma_start3A_406 = tpu.memref_squeeze %dma_start3A_405 : memref<1x128xi32, #tpu.memory_space<vmem>> -> memref<128xi32, #tpu.memory_space<vmem>>
      %dma_start3A_407 = tpu.memref_slice %arg3[%add3A_177] : memref<16384xi32, #tpu.memory_space<hbm>> -> memref<128xi32, #tpu.memory_space<hbm>>
      %dma_start3A_408 = arith.constant 0 : i32
      %dma_start3A_409 = tpu.memref_slice %arg6[%run_scoped3A_178, %dma_start3A_408] : memref<8x128xi32, #tpu.memory_space<vmem>> -> memref<1x128xi32, #tpu.memory_space<vmem>>
      %dma_start3A_410 = tpu.memref_squeeze %dma_start3A_409 : memref<1x128xi32, #tpu.memory_space<vmem>> -> memref<128xi32, #tpu.memory_space<vmem>>
      %dma_start3A_411 = tpu.memref_slice %arg3[%add3A_177] : memref<16384xi32, #tpu.memory_space<hbm>> -> memref<128xi32, #tpu.memory_space<hbm>>
      tpu.enqueue_dma source(%dma_start3A_411 : memref<128xi32, #tpu.memory_space<hbm>>) target(%dma_start3A_410 : memref<128xi32, #tpu.memory_space<vmem>>) target_semaphore(%run_scoped3A_403 : memref<!tpu.dma_semaphore, #tpu.memory_space<semaphore_mem>>)
      %dma_wait3A_412 = arith.constant 0 : i32
      %dma_wait3A_413 = tpu.memref_slice %arg6[%run_scoped3A_178, %dma_wait3A_412] : memref<8x128xi32, #tpu.memory_space<vmem>> -> memref<1x128xi32, #tpu.memory_space<vmem>>
      %dma_wait3A_414 = tpu.memref_squeeze %dma_wait3A_413 : memref<1x128xi32, #tpu.memory_space<vmem>> -> memref<128xi32, #tpu.memory_space<vmem>>
      %dma_wait3A_415 = tpu.memref_slice %arg3[%add3A_177] : memref<16384xi32, #tpu.memory_space<hbm>> -> memref<128xi32, #tpu.memory_space<hbm>>
      %dma_wait3A_416 = arith.constant 0 : i32
      %dma_wait3A_417 = tpu.memref_slice %arg6[%run_scoped3A_178, %dma_wait3A_416] : memref<8x128xi32, #tpu.memory_space<vmem>> -> memref<1x128xi32, #tpu.memory_space<vmem>>
      %dma_wait3A_418 = tpu.memref_squeeze %dma_wait3A_417 : memref<1x128xi32, #tpu.memory_space<vmem>> -> memref<128xi32, #tpu.memory_space<vmem>>
      %dma_wait3A_419 = tpu.memref_slice %arg3[%add3A_177] : memref<16384xi32, #tpu.memory_space<hbm>> -> memref<128xi32, #tpu.memory_space<hbm>>
      tpu.wait_dma2 semaphore(%run_scoped3A_403 : memref<!tpu.dma_semaphore, #tpu.memory_space<semaphore_mem>>) src(%dma_wait3A_419 : memref<128xi32, #tpu.memory_space<hbm>>) dst(%dma_wait3A_418 : memref<128xi32, #tpu.memory_space<vmem>>)
      tpu.yield
    }) : () -> ()
    %mul3A_179 = arith.constant 1024 : i32
    %mul3A_180 = arith.muli %arg1, %mul3A_179 : i32
    %add3A_181 = arith.constant 512 : i32
    %add3A_182 = arith.addi %mul3A_180, %add3A_181 : i32
    %run_scoped3A_183 = arith.constant 4 : i32
    "tpu.region"() ({
      %run_scoped3A_403 = tpu.sem_alloc : memref<!tpu.dma_semaphore, #tpu.memory_space<semaphore_mem>>
      %dma_start3A_404 = arith.constant 0 : i32
      %dma_start3A_405 = tpu.memref_slice %arg6[%run_scoped3A_183, %dma_start3A_404] : memref<8x128xi32, #tpu.memory_space<vmem>> -> memref<1x128xi32, #tpu.memory_space<vmem>>
      %dma_start3A_406 = tpu.memref_squeeze %dma_start3A_405 : memref<1x128xi32, #tpu.memory_space<vmem>> -> memref<128xi32, #tpu.memory_space<vmem>>
      %dma_start3A_407 = tpu.memref_slice %arg3[%add3A_182] : memref<16384xi32, #tpu.memory_space<hbm>> -> memref<128xi32, #tpu.memory_space<hbm>>
      %dma_start3A_408 = arith.constant 0 : i32
      %dma_start3A_409 = tpu.memref_slice %arg6[%run_scoped3A_183, %dma_start3A_408] : memref<8x128xi32, #tpu.memory_space<vmem>> -> memref<1x128xi32, #tpu.memory_space<vmem>>
      %dma_start3A_410 = tpu.memref_squeeze %dma_start3A_409 : memref<1x128xi32, #tpu.memory_space<vmem>> -> memref<128xi32, #tpu.memory_space<vmem>>
      %dma_start3A_411 = tpu.memref_slice %arg3[%add3A_182] : memref<16384xi32, #tpu.memory_space<hbm>> -> memref<128xi32, #tpu.memory_space<hbm>>
      tpu.enqueue_dma source(%dma_start3A_411 : memref<128xi32, #tpu.memory_space<hbm>>) target(%dma_start3A_410 : memref<128xi32, #tpu.memory_space<vmem>>) target_semaphore(%run_scoped3A_403 : memref<!tpu.dma_semaphore, #tpu.memory_space<semaphore_mem>>)
      %dma_wait3A_412 = arith.constant 0 : i32
      %dma_wait3A_413 = tpu.memref_slice %arg6[%run_scoped3A_183, %dma_wait3A_412] : memref<8x128xi32, #tpu.memory_space<vmem>> -> memref<1x128xi32, #tpu.memory_space<vmem>>
      %dma_wait3A_414 = tpu.memref_squeeze %dma_wait3A_413 : memref<1x128xi32, #tpu.memory_space<vmem>> -> memref<128xi32, #tpu.memory_space<vmem>>
      %dma_wait3A_415 = tpu.memref_slice %arg3[%add3A_182] : memref<16384xi32, #tpu.memory_space<hbm>> -> memref<128xi32, #tpu.memory_space<hbm>>
      %dma_wait3A_416 = arith.constant 0 : i32
      %dma_wait3A_417 = tpu.memref_slice %arg6[%run_scoped3A_183, %dma_wait3A_416] : memref<8x128xi32, #tpu.memory_space<vmem>> -> memref<1x128xi32, #tpu.memory_space<vmem>>
      %dma_wait3A_418 = tpu.memref_squeeze %dma_wait3A_417 : memref<1x128xi32, #tpu.memory_space<vmem>> -> memref<128xi32, #tpu.memory_space<vmem>>
      %dma_wait3A_419 = tpu.memref_slice %arg3[%add3A_182] : memref<16384xi32, #tpu.memory_space<hbm>> -> memref<128xi32, #tpu.memory_space<hbm>>
      tpu.wait_dma2 semaphore(%run_scoped3A_403 : memref<!tpu.dma_semaphore, #tpu.memory_space<semaphore_mem>>) src(%dma_wait3A_419 : memref<128xi32, #tpu.memory_space<hbm>>) dst(%dma_wait3A_418 : memref<128xi32, #tpu.memory_space<vmem>>)
      tpu.yield
    }) : () -> ()
    %mul3A_184 = arith.constant 1024 : i32
    %mul3A_185 = arith.muli %arg1, %mul3A_184 : i32
    %add3A_186 = arith.constant 640 : i32
    %add3A_187 = arith.addi %mul3A_185, %add3A_186 : i32
    %run_scoped3A_188 = arith.constant 5 : i32
    "tpu.region"() ({
      %run_scoped3A_403 = tpu.sem_alloc : memref<!tpu.dma_semaphore, #tpu.memory_space<semaphore_mem>>
      %dma_start3A_404 = arith.constant 0 : i32
      %dma_start3A_405 = tpu.memref_slice %arg6[%run_scoped3A_188, %dma_start3A_404] : memref<8x128xi32, #tpu.memory_space<vmem>> -> memref<1x128xi32, #tpu.memory_space<vmem>>
      %dma_start3A_406 = tpu.memref_squeeze %dma_start3A_405 : memref<1x128xi32, #tpu.memory_space<vmem>> -> memref<128xi32, #tpu.memory_space<vmem>>
      %dma_start3A_407 = tpu.memref_slice %arg3[%add3A_187] : memref<16384xi32, #tpu.memory_space<hbm>> -> memref<128xi32, #tpu.memory_space<hbm>>
      %dma_start3A_408 = arith.constant 0 : i32
      %dma_start3A_409 = tpu.memref_slice %arg6[%run_scoped3A_188, %dma_start3A_408] : memref<8x128xi32, #tpu.memory_space<vmem>> -> memref<1x128xi32, #tpu.memory_space<vmem>>
      %dma_start3A_410 = tpu.memref_squeeze %dma_start3A_409 : memref<1x128xi32, #tpu.memory_space<vmem>> -> memref<128xi32, #tpu.memory_space<vmem>>
      %dma_start3A_411 = tpu.memref_slice %arg3[%add3A_187] : memref<16384xi32, #tpu.memory_space<hbm>> -> memref<128xi32, #tpu.memory_space<hbm>>
      tpu.enqueue_dma source(%dma_start3A_411 : memref<128xi32, #tpu.memory_space<hbm>>) target(%dma_start3A_410 : memref<128xi32, #tpu.memory_space<vmem>>) target_semaphore(%run_scoped3A_403 : memref<!tpu.dma_semaphore, #tpu.memory_space<semaphore_mem>>)
      %dma_wait3A_412 = arith.constant 0 : i32
      %dma_wait3A_413 = tpu.memref_slice %arg6[%run_scoped3A_188, %dma_wait3A_412] : memref<8x128xi32, #tpu.memory_space<vmem>> -> memref<1x128xi32, #tpu.memory_space<vmem>>
      %dma_wait3A_414 = tpu.memref_squeeze %dma_wait3A_413 : memref<1x128xi32, #tpu.memory_space<vmem>> -> memref<128xi32, #tpu.memory_space<vmem>>
      %dma_wait3A_415 = tpu.memref_slice %arg3[%add3A_187] : memref<16384xi32, #tpu.memory_space<hbm>> -> memref<128xi32, #tpu.memory_space<hbm>>
      %dma_wait3A_416 = arith.constant 0 : i32
      %dma_wait3A_417 = tpu.memref_slice %arg6[%run_scoped3A_188, %dma_wait3A_416] : memref<8x128xi32, #tpu.memory_space<vmem>> -> memref<1x128xi32, #tpu.memory_space<vmem>>
      %dma_wait3A_418 = tpu.memref_squeeze %dma_wait3A_417 : memref<1x128xi32, #tpu.memory_space<vmem>> -> memref<128xi32, #tpu.memory_space<vmem>>
      %dma_wait3A_419 = tpu.memref_slice %arg3[%add3A_187] : memref<16384xi32, #tpu.memory_space<hbm>> -> memref<128xi32, #tpu.memory_space<hbm>>
      tpu.wait_dma2 semaphore(%run_scoped3A_403 : memref<!tpu.dma_semaphore, #tpu.memory_space<semaphore_mem>>) src(%dma_wait3A_419 : memref<128xi32, #tpu.memory_space<hbm>>) dst(%dma_wait3A_418 : memref<128xi32, #tpu.memory_space<vmem>>)
      tpu.yield
    }) : () -> ()
    %mul3A_189 = arith.constant 1024 : i32
    %mul3A_190 = arith.muli %arg1, %mul3A_189 : i32
    %add3A_191 = arith.constant 768 : i32
    %add3A_192 = arith.addi %mul3A_190, %add3A_191 : i32
    %run_scoped3A_193 = arith.constant 6 : i32
    "tpu.region"() ({
      %run_scoped3A_403 = tpu.sem_alloc : memref<!tpu.dma_semaphore, #tpu.memory_space<semaphore_mem>>
      %dma_start3A_404 = arith.constant 0 : i32
      %dma_start3A_405 = tpu.memref_slice %arg6[%run_scoped3A_193, %dma_start3A_404] : memref<8x128xi32, #tpu.memory_space<vmem>> -> memref<1x128xi32, #tpu.memory_space<vmem>>
      %dma_start3A_406 = tpu.memref_squeeze %dma_start3A_405 : memref<1x128xi32, #tpu.memory_space<vmem>> -> memref<128xi32, #tpu.memory_space<vmem>>
      %dma_start3A_407 = tpu.memref_slice %arg3[%add3A_192] : memref<16384xi32, #tpu.memory_space<hbm>> -> memref<128xi32, #tpu.memory_space<hbm>>
      %dma_start3A_408 = arith.constant 0 : i32
      %dma_start3A_409 = tpu.memref_slice %arg6[%run_scoped3A_193, %dma_start3A_408] : memref<8x128xi32, #tpu.memory_space<vmem>> -> memref<1x128xi32, #tpu.memory_space<vmem>>
      %dma_start3A_410 = tpu.memref_squeeze %dma_start3A_409 : memref<1x128xi32, #tpu.memory_space<vmem>> -> memref<128xi32, #tpu.memory_space<vmem>>
      %dma_start3A_411 = tpu.memref_slice %arg3[%add3A_192] : memref<16384xi32, #tpu.memory_space<hbm>> -> memref<128xi32, #tpu.memory_space<hbm>>
      tpu.enqueue_dma source(%dma_start3A_411 : memref<128xi32, #tpu.memory_space<hbm>>) target(%dma_start3A_410 : memref<128xi32, #tpu.memory_space<vmem>>) target_semaphore(%run_scoped3A_403 : memref<!tpu.dma_semaphore, #tpu.memory_space<semaphore_mem>>)
      %dma_wait3A_412 = arith.constant 0 : i32
      %dma_wait3A_413 = tpu.memref_slice %arg6[%run_scoped3A_193, %dma_wait3A_412] : memref<8x128xi32, #tpu.memory_space<vmem>> -> memref<1x128xi32, #tpu.memory_space<vmem>>
      %dma_wait3A_414 = tpu.memref_squeeze %dma_wait3A_413 : memref<1x128xi32, #tpu.memory_space<vmem>> -> memref<128xi32, #tpu.memory_space<vmem>>
      %dma_wait3A_415 = tpu.memref_slice %arg3[%add3A_192] : memref<16384xi32, #tpu.memory_space<hbm>> -> memref<128xi32, #tpu.memory_space<hbm>>
      %dma_wait3A_416 = arith.constant 0 : i32
      %dma_wait3A_417 = tpu.memref_slice %arg6[%run_scoped3A_193, %dma_wait3A_416] : memref<8x128xi32, #tpu.memory_space<vmem>> -> memref<1x128xi32, #tpu.memory_space<vmem>>
      %dma_wait3A_418 = tpu.memref_squeeze %dma_wait3A_417 : memref<1x128xi32, #tpu.memory_space<vmem>> -> memref<128xi32, #tpu.memory_space<vmem>>
      %dma_wait3A_419 = tpu.memref_slice %arg3[%add3A_192] : memref<16384xi32, #tpu.memory_space<hbm>> -> memref<128xi32, #tpu.memory_space<hbm>>
      tpu.wait_dma2 semaphore(%run_scoped3A_403 : memref<!tpu.dma_semaphore, #tpu.memory_space<semaphore_mem>>) src(%dma_wait3A_419 : memref<128xi32, #tpu.memory_space<hbm>>) dst(%dma_wait3A_418 : memref<128xi32, #tpu.memory_space<vmem>>)
      tpu.yield
    }) : () -> ()
    %mul3A_194 = arith.constant 1024 : i32
    %mul3A_195 = arith.muli %arg1, %mul3A_194 : i32
    %add3A_196 = arith.constant 896 : i32
    %add3A_197 = arith.addi %mul3A_195, %add3A_196 : i32
    %run_scoped3A_198 = arith.constant 7 : i32
    "tpu.region"() ({
      %run_scoped3A_403 = tpu.sem_alloc : memref<!tpu.dma_semaphore, #tpu.memory_space<semaphore_mem>>
      %dma_start3A_404 = arith.constant 0 : i32
      %dma_start3A_405 = tpu.memref_slice %arg6[%run_scoped3A_198, %dma_start3A_404] : memref<8x128xi32, #tpu.memory_space<vmem>> -> memref<1x128xi32, #tpu.memory_space<vmem>>
      %dma_start3A_406 = tpu.memref_squeeze %dma_start3A_405 : memref<1x128xi32, #tpu.memory_space<vmem>> -> memref<128xi32, #tpu.memory_space<vmem>>
      %dma_start3A_407 = tpu.memref_slice %arg3[%add3A_197] : memref<16384xi32, #tpu.memory_space<hbm>> -> memref<128xi32, #tpu.memory_space<hbm>>
      %dma_start3A_408 = arith.constant 0 : i32
      %dma_start3A_409 = tpu.memref_slice %arg6[%run_scoped3A_198, %dma_start3A_408] : memref<8x128xi32, #tpu.memory_space<vmem>> -> memref<1x128xi32, #tpu.memory_space<vmem>>
      %dma_start3A_410 = tpu.memref_squeeze %dma_start3A_409 : memref<1x128xi32, #tpu.memory_space<vmem>> -> memref<128xi32, #tpu.memory_space<vmem>>
      %dma_start3A_411 = tpu.memref_slice %arg3[%add3A_197] : memref<16384xi32, #tpu.memory_space<hbm>> -> memref<128xi32, #tpu.memory_space<hbm>>
      tpu.enqueue_dma source(%dma_start3A_411 : memref<128xi32, #tpu.memory_space<hbm>>) target(%dma_start3A_410 : memref<128xi32, #tpu.memory_space<vmem>>) target_semaphore(%run_scoped3A_403 : memref<!tpu.dma_semaphore, #tpu.memory_space<semaphore_mem>>)
      %dma_wait3A_412 = arith.constant 0 : i32
      %dma_wait3A_413 = tpu.memref_slice %arg6[%run_scoped3A_198, %dma_wait3A_412] : memref<8x128xi32, #tpu.memory_space<vmem>> -> memref<1x128xi32, #tpu.memory_space<vmem>>
      %dma_wait3A_414 = tpu.memref_squeeze %dma_wait3A_413 : memref<1x128xi32, #tpu.memory_space<vmem>> -> memref<128xi32, #tpu.memory_space<vmem>>
      %dma_wait3A_415 = tpu.memref_slice %arg3[%add3A_197] : memref<16384xi32, #tpu.memory_space<hbm>> -> memref<128xi32, #tpu.memory_space<hbm>>
      %dma_wait3A_416 = arith.constant 0 : i32
      %dma_wait3A_417 = tpu.memref_slice %arg6[%run_scoped3A_198, %dma_wait3A_416] : memref<8x128xi32, #tpu.memory_space<vmem>> -> memref<1x128xi32, #tpu.memory_space<vmem>>
      %dma_wait3A_418 = tpu.memref_squeeze %dma_wait3A_417 : memref<1x128xi32, #tpu.memory_space<vmem>> -> memref<128xi32, #tpu.memory_space<vmem>>
      %dma_wait3A_419 = tpu.memref_slice %arg3[%add3A_197] : memref<16384xi32, #tpu.memory_space<hbm>> -> memref<128xi32, #tpu.memory_space<hbm>>
      tpu.wait_dma2 semaphore(%run_scoped3A_403 : memref<!tpu.dma_semaphore, #tpu.memory_space<semaphore_mem>>) src(%dma_wait3A_419 : memref<128xi32, #tpu.memory_space<hbm>>) dst(%dma_wait3A_418 : memref<128xi32, #tpu.memory_space<vmem>>)
      tpu.yield
    }) : () -> ()
    %run_scoped3A_199 = arith.constant 0 : i32
    "tpu.region"() ({
      %run_scoped3A_403 = tpu.sem_alloc : memref<!tpu.dma_semaphore, #tpu.memory_space<semaphore_mem>>
      %dma_start3A_404 = arith.constant 0 : i32
      %dma_start3A_405 = tpu.memref_slice %arg6[%run_scoped3A_199, %dma_start3A_404] : memref<8x128xi32, #tpu.memory_space<vmem>> -> memref<1x128xi32, #tpu.memory_space<vmem>>
      %dma_start3A_406 = tpu.memref_squeeze %dma_start3A_405 : memref<1x128xi32, #tpu.memory_space<vmem>> -> memref<128xi32, #tpu.memory_space<vmem>>
      %dma_start3A_407 = arith.constant 0 : i32
      %dma_start3A_408 = tpu.memref_slice %arg13[%dma_start3A_407] : memref<1024xf32, #tpu.memory_space<vmem_shared>> -> memref<1024xf32, #tpu.memory_space<vmem_shared>>
      tpu.enqueue_indirect_dma source(%arg8 : memref<128xf32, #tpu.memory_space<vmem>>) target(%dma_start3A_408 : memref<1024xf32, #tpu.memory_space<vmem_shared>>) offsets(%dma_start3A_406 : memref<128xi32, #tpu.memory_space<vmem>>) semaphore(%run_scoped3A_403 : memref<!tpu.dma_semaphore, #tpu.memory_space<semaphore_mem>>) {add = true}
      %dma_wait3A_409 = arith.constant 0 : i32
      %dma_wait3A_410 = tpu.memref_slice %arg6[%run_scoped3A_199, %dma_wait3A_409] : memref<8x128xi32, #tpu.memory_space<vmem>> -> memref<1x128xi32, #tpu.memory_space<vmem>>
      %dma_wait3A_411 = tpu.memref_squeeze %dma_wait3A_410 : memref<1x128xi32, #tpu.memory_space<vmem>> -> memref<128xi32, #tpu.memory_space<vmem>>
      %dma_wait3A_412 = arith.constant 0 : i32
      %dma_wait3A_413 = tpu.memref_slice %arg13[%dma_wait3A_412] : memref<1024xf32, #tpu.memory_space<vmem_shared>> -> memref<1024xf32, #tpu.memory_space<vmem_shared>>
      tpu.wait_indirect_dma semaphore(%run_scoped3A_403 : memref<!tpu.dma_semaphore, #tpu.memory_space<semaphore_mem>>) src(%arg8 : memref<128xf32, #tpu.memory_space<vmem>>) dst(%dma_wait3A_413 : memref<1024xf32, #tpu.memory_space<vmem_shared>>)
      tpu.yield
    }) : () -> ()
    %run_scoped3A_200 = arith.constant 1 : i32
    "tpu.region"() ({
      %run_scoped3A_403 = tpu.sem_alloc : memref<!tpu.dma_semaphore, #tpu.memory_space<semaphore_mem>>
      %dma_start3A_404 = arith.constant 0 : i32
      %dma_start3A_405 = tpu.memref_slice %arg6[%run_scoped3A_200, %dma_start3A_404] : memref<8x128xi32, #tpu.memory_space<vmem>> -> memref<1x128xi32, #tpu.memory_space<vmem>>
      %dma_start3A_406 = tpu.memref_squeeze %dma_start3A_405 : memref<1x128xi32, #tpu.memory_space<vmem>> -> memref<128xi32, #tpu.memory_space<vmem>>
      %dma_start3A_407 = arith.constant 0 : i32
      %dma_start3A_408 = tpu.memref_slice %arg13[%dma_start3A_407] : memref<1024xf32, #tpu.memory_space<vmem_shared>> -> memref<1024xf32, #tpu.memory_space<vmem_shared>>
      tpu.enqueue_indirect_dma source(%arg8 : memref<128xf32, #tpu.memory_space<vmem>>) target(%dma_start3A_408 : memref<1024xf32, #tpu.memory_space<vmem_shared>>) offsets(%dma_start3A_406 : memref<128xi32, #tpu.memory_space<vmem>>) semaphore(%run_scoped3A_403 : memref<!tpu.dma_semaphore, #tpu.memory_space<semaphore_mem>>) {add = true}
      %dma_wait3A_409 = arith.constant 0 : i32
      %dma_wait3A_410 = tpu.memref_slice %arg6[%run_scoped3A_200, %dma_wait3A_409] : memref<8x128xi32, #tpu.memory_space<vmem>> -> memref<1x128xi32, #tpu.memory_space<vmem>>
      %dma_wait3A_411 = tpu.memref_squeeze %dma_wait3A_410 : memref<1x128xi32, #tpu.memory_space<vmem>> -> memref<128xi32, #tpu.memory_space<vmem>>
      %dma_wait3A_412 = arith.constant 0 : i32
      %dma_wait3A_413 = tpu.memref_slice %arg13[%dma_wait3A_412] : memref<1024xf32, #tpu.memory_space<vmem_shared>> -> memref<1024xf32, #tpu.memory_space<vmem_shared>>
      tpu.wait_indirect_dma semaphore(%run_scoped3A_403 : memref<!tpu.dma_semaphore, #tpu.memory_space<semaphore_mem>>) src(%arg8 : memref<128xf32, #tpu.memory_space<vmem>>) dst(%dma_wait3A_413 : memref<1024xf32, #tpu.memory_space<vmem_shared>>)
      tpu.yield
    }) : () -> ()
    %run_scoped3A_201 = arith.constant 2 : i32
    "tpu.region"() ({
      %run_scoped3A_403 = tpu.sem_alloc : memref<!tpu.dma_semaphore, #tpu.memory_space<semaphore_mem>>
      %dma_start3A_404 = arith.constant 0 : i32
      %dma_start3A_405 = tpu.memref_slice %arg6[%run_scoped3A_201, %dma_start3A_404] : memref<8x128xi32, #tpu.memory_space<vmem>> -> memref<1x128xi32, #tpu.memory_space<vmem>>
      %dma_start3A_406 = tpu.memref_squeeze %dma_start3A_405 : memref<1x128xi32, #tpu.memory_space<vmem>> -> memref<128xi32, #tpu.memory_space<vmem>>
      %dma_start3A_407 = arith.constant 0 : i32
      %dma_start3A_408 = tpu.memref_slice %arg13[%dma_start3A_407] : memref<1024xf32, #tpu.memory_space<vmem_shared>> -> memref<1024xf32, #tpu.memory_space<vmem_shared>>
      tpu.enqueue_indirect_dma source(%arg8 : memref<128xf32, #tpu.memory_space<vmem>>) target(%dma_start3A_408 : memref<1024xf32, #tpu.memory_space<vmem_shared>>) offsets(%dma_start3A_406 : memref<128xi32, #tpu.memory_space<vmem>>) semaphore(%run_scoped3A_403 : memref<!tpu.dma_semaphore, #tpu.memory_space<semaphore_mem>>) {add = true}
      %dma_wait3A_409 = arith.constant 0 : i32
      %dma_wait3A_410 = tpu.memref_slice %arg6[%run_scoped3A_201, %dma_wait3A_409] : memref<8x128xi32, #tpu.memory_space<vmem>> -> memref<1x128xi32, #tpu.memory_space<vmem>>
      %dma_wait3A_411 = tpu.memref_squeeze %dma_wait3A_410 : memref<1x128xi32, #tpu.memory_space<vmem>> -> memref<128xi32, #tpu.memory_space<vmem>>
      %dma_wait3A_412 = arith.constant 0 : i32
      %dma_wait3A_413 = tpu.memref_slice %arg13[%dma_wait3A_412] : memref<1024xf32, #tpu.memory_space<vmem_shared>> -> memref<1024xf32, #tpu.memory_space<vmem_shared>>
      tpu.wait_indirect_dma semaphore(%run_scoped3A_403 : memref<!tpu.dma_semaphore, #tpu.memory_space<semaphore_mem>>) src(%arg8 : memref<128xf32, #tpu.memory_space<vmem>>) dst(%dma_wait3A_413 : memref<1024xf32, #tpu.memory_space<vmem_shared>>)
      tpu.yield
    }) : () -> ()
    %run_scoped3A_202 = arith.constant 3 : i32
    "tpu.region"() ({
      %run_scoped3A_403 = tpu.sem_alloc : memref<!tpu.dma_semaphore, #tpu.memory_space<semaphore_mem>>
      %dma_start3A_404 = arith.constant 0 : i32
      %dma_start3A_405 = tpu.memref_slice %arg6[%run_scoped3A_202, %dma_start3A_404] : memref<8x128xi32, #tpu.memory_space<vmem>> -> memref<1x128xi32, #tpu.memory_space<vmem>>
      %dma_start3A_406 = tpu.memref_squeeze %dma_start3A_405 : memref<1x128xi32, #tpu.memory_space<vmem>> -> memref<128xi32, #tpu.memory_space<vmem>>
      %dma_start3A_407 = arith.constant 0 : i32
      %dma_start3A_408 = tpu.memref_slice %arg13[%dma_start3A_407] : memref<1024xf32, #tpu.memory_space<vmem_shared>> -> memref<1024xf32, #tpu.memory_space<vmem_shared>>
      tpu.enqueue_indirect_dma source(%arg8 : memref<128xf32, #tpu.memory_space<vmem>>) target(%dma_start3A_408 : memref<1024xf32, #tpu.memory_space<vmem_shared>>) offsets(%dma_start3A_406 : memref<128xi32, #tpu.memory_space<vmem>>) semaphore(%run_scoped3A_403 : memref<!tpu.dma_semaphore, #tpu.memory_space<semaphore_mem>>) {add = true}
      %dma_wait3A_409 = arith.constant 0 : i32
      %dma_wait3A_410 = tpu.memref_slice %arg6[%run_scoped3A_202, %dma_wait3A_409] : memref<8x128xi32, #tpu.memory_space<vmem>> -> memref<1x128xi32, #tpu.memory_space<vmem>>
      %dma_wait3A_411 = tpu.memref_squeeze %dma_wait3A_410 : memref<1x128xi32, #tpu.memory_space<vmem>> -> memref<128xi32, #tpu.memory_space<vmem>>
      %dma_wait3A_412 = arith.constant 0 : i32
      %dma_wait3A_413 = tpu.memref_slice %arg13[%dma_wait3A_412] : memref<1024xf32, #tpu.memory_space<vmem_shared>> -> memref<1024xf32, #tpu.memory_space<vmem_shared>>
      tpu.wait_indirect_dma semaphore(%run_scoped3A_403 : memref<!tpu.dma_semaphore, #tpu.memory_space<semaphore_mem>>) src(%arg8 : memref<128xf32, #tpu.memory_space<vmem>>) dst(%dma_wait3A_413 : memref<1024xf32, #tpu.memory_space<vmem_shared>>)
      tpu.yield
    }) : () -> ()
    %run_scoped3A_203 = arith.constant 4 : i32
    "tpu.region"() ({
      %run_scoped3A_403 = tpu.sem_alloc : memref<!tpu.dma_semaphore, #tpu.memory_space<semaphore_mem>>
      %dma_start3A_404 = arith.constant 0 : i32
      %dma_start3A_405 = tpu.memref_slice %arg6[%run_scoped3A_203, %dma_start3A_404] : memref<8x128xi32, #tpu.memory_space<vmem>> -> memref<1x128xi32, #tpu.memory_space<vmem>>
      %dma_start3A_406 = tpu.memref_squeeze %dma_start3A_405 : memref<1x128xi32, #tpu.memory_space<vmem>> -> memref<128xi32, #tpu.memory_space<vmem>>
      %dma_start3A_407 = arith.constant 0 : i32
      %dma_start3A_408 = tpu.memref_slice %arg13[%dma_start3A_407] : memref<1024xf32, #tpu.memory_space<vmem_shared>> -> memref<1024xf32, #tpu.memory_space<vmem_shared>>
      tpu.enqueue_indirect_dma source(%arg8 : memref<128xf32, #tpu.memory_space<vmem>>) target(%dma_start3A_408 : memref<1024xf32, #tpu.memory_space<vmem_shared>>) offsets(%dma_start3A_406 : memref<128xi32, #tpu.memory_space<vmem>>) semaphore(%run_scoped3A_403 : memref<!tpu.dma_semaphore, #tpu.memory_space<semaphore_mem>>) {add = true}
      %dma_wait3A_409 = arith.constant 0 : i32
      %dma_wait3A_410 = tpu.memref_slice %arg6[%run_scoped3A_203, %dma_wait3A_409] : memref<8x128xi32, #tpu.memory_space<vmem>> -> memref<1x128xi32, #tpu.memory_space<vmem>>
      %dma_wait3A_411 = tpu.memref_squeeze %dma_wait3A_410 : memref<1x128xi32, #tpu.memory_space<vmem>> -> memref<128xi32, #tpu.memory_space<vmem>>
      %dma_wait3A_412 = arith.constant 0 : i32
      %dma_wait3A_413 = tpu.memref_slice %arg13[%dma_wait3A_412] : memref<1024xf32, #tpu.memory_space<vmem_shared>> -> memref<1024xf32, #tpu.memory_space<vmem_shared>>
      tpu.wait_indirect_dma semaphore(%run_scoped3A_403 : memref<!tpu.dma_semaphore, #tpu.memory_space<semaphore_mem>>) src(%arg8 : memref<128xf32, #tpu.memory_space<vmem>>) dst(%dma_wait3A_413 : memref<1024xf32, #tpu.memory_space<vmem_shared>>)
      tpu.yield
    }) : () -> ()
    %run_scoped3A_204 = arith.constant 5 : i32
    "tpu.region"() ({
      %run_scoped3A_403 = tpu.sem_alloc : memref<!tpu.dma_semaphore, #tpu.memory_space<semaphore_mem>>
      %dma_start3A_404 = arith.constant 0 : i32
      %dma_start3A_405 = tpu.memref_slice %arg6[%run_scoped3A_204, %dma_start3A_404] : memref<8x128xi32, #tpu.memory_space<vmem>> -> memref<1x128xi32, #tpu.memory_space<vmem>>
      %dma_start3A_406 = tpu.memref_squeeze %dma_start3A_405 : memref<1x128xi32, #tpu.memory_space<vmem>> -> memref<128xi32, #tpu.memory_space<vmem>>
      %dma_start3A_407 = arith.constant 0 : i32
      %dma_start3A_408 = tpu.memref_slice %arg13[%dma_start3A_407] : memref<1024xf32, #tpu.memory_space<vmem_shared>> -> memref<1024xf32, #tpu.memory_space<vmem_shared>>
      tpu.enqueue_indirect_dma source(%arg8 : memref<128xf32, #tpu.memory_space<vmem>>) target(%dma_start3A_408 : memref<1024xf32, #tpu.memory_space<vmem_shared>>) offsets(%dma_start3A_406 : memref<128xi32, #tpu.memory_space<vmem>>) semaphore(%run_scoped3A_403 : memref<!tpu.dma_semaphore, #tpu.memory_space<semaphore_mem>>) {add = true}
      %dma_wait3A_409 = arith.constant 0 : i32
      %dma_wait3A_410 = tpu.memref_slice %arg6[%run_scoped3A_204, %dma_wait3A_409] : memref<8x128xi32, #tpu.memory_space<vmem>> -> memref<1x128xi32, #tpu.memory_space<vmem>>
      %dma_wait3A_411 = tpu.memref_squeeze %dma_wait3A_410 : memref<1x128xi32, #tpu.memory_space<vmem>> -> memref<128xi32, #tpu.memory_space<vmem>>
      %dma_wait3A_412 = arith.constant 0 : i32
      %dma_wait3A_413 = tpu.memref_slice %arg13[%dma_wait3A_412] : memref<1024xf32, #tpu.memory_space<vmem_shared>> -> memref<1024xf32, #tpu.memory_space<vmem_shared>>
      tpu.wait_indirect_dma semaphore(%run_scoped3A_403 : memref<!tpu.dma_semaphore, #tpu.memory_space<semaphore_mem>>) src(%arg8 : memref<128xf32, #tpu.memory_space<vmem>>) dst(%dma_wait3A_413 : memref<1024xf32, #tpu.memory_space<vmem_shared>>)
      tpu.yield
    }) : () -> ()
    %run_scoped3A_205 = arith.constant 6 : i32
    "tpu.region"() ({
      %run_scoped3A_403 = tpu.sem_alloc : memref<!tpu.dma_semaphore, #tpu.memory_space<semaphore_mem>>
      %dma_start3A_404 = arith.constant 0 : i32
      %dma_start3A_405 = tpu.memref_slice %arg6[%run_scoped3A_205, %dma_start3A_404] : memref<8x128xi32, #tpu.memory_space<vmem>> -> memref<1x128xi32, #tpu.memory_space<vmem>>
      %dma_start3A_406 = tpu.memref_squeeze %dma_start3A_405 : memref<1x128xi32, #tpu.memory_space<vmem>> -> memref<128xi32, #tpu.memory_space<vmem>>
      %dma_start3A_407 = arith.constant 0 : i32
      %dma_start3A_408 = tpu.memref_slice %arg13[%dma_start3A_407] : memref<1024xf32, #tpu.memory_space<vmem_shared>> -> memref<1024xf32, #tpu.memory_space<vmem_shared>>
      tpu.enqueue_indirect_dma source(%arg8 : memref<128xf32, #tpu.memory_space<vmem>>) target(%dma_start3A_408 : memref<1024xf32, #tpu.memory_space<vmem_shared>>) offsets(%dma_start3A_406 : memref<128xi32, #tpu.memory_space<vmem>>) semaphore(%run_scoped3A_403 : memref<!tpu.dma_semaphore, #tpu.memory_space<semaphore_mem>>) {add = true}
      %dma_wait3A_409 = arith.constant 0 : i32
      %dma_wait3A_410 = tpu.memref_slice %arg6[%run_scoped3A_205, %dma_wait3A_409] : memref<8x128xi32, #tpu.memory_space<vmem>> -> memref<1x128xi32, #tpu.memory_space<vmem>>
      %dma_wait3A_411 = tpu.memref_squeeze %dma_wait3A_410 : memref<1x128xi32, #tpu.memory_space<vmem>> -> memref<128xi32, #tpu.memory_space<vmem>>
      %dma_wait3A_412 = arith.constant 0 : i32
      %dma_wait3A_413 = tpu.memref_slice %arg13[%dma_wait3A_412] : memref<1024xf32, #tpu.memory_space<vmem_shared>> -> memref<1024xf32, #tpu.memory_space<vmem_shared>>
      tpu.wait_indirect_dma semaphore(%run_scoped3A_403 : memref<!tpu.dma_semaphore, #tpu.memory_space<semaphore_mem>>) src(%arg8 : memref<128xf32, #tpu.memory_space<vmem>>) dst(%dma_wait3A_413 : memref<1024xf32, #tpu.memory_space<vmem_shared>>)
      tpu.yield
    }) : () -> ()
    %run_scoped3A_206 = arith.constant 7 : i32
    "tpu.region"() ({
      %run_scoped3A_403 = tpu.sem_alloc : memref<!tpu.dma_semaphore, #tpu.memory_space<semaphore_mem>>
      %dma_start3A_404 = arith.constant 0 : i32
      %dma_start3A_405 = tpu.memref_slice %arg6[%run_scoped3A_206, %dma_start3A_404] : memref<8x128xi32, #tpu.memory_space<vmem>> -> memref<1x128xi32, #tpu.memory_space<vmem>>
      %dma_start3A_406 = tpu.memref_squeeze %dma_start3A_405 : memref<1x128xi32, #tpu.memory_space<vmem>> -> memref<128xi32, #tpu.memory_space<vmem>>
      %dma_start3A_407 = arith.constant 0 : i32
      %dma_start3A_408 = tpu.memref_slice %arg13[%dma_start3A_407] : memref<1024xf32, #tpu.memory_space<vmem_shared>> -> memref<1024xf32, #tpu.memory_space<vmem_shared>>
      tpu.enqueue_indirect_dma source(%arg8 : memref<128xf32, #tpu.memory_space<vmem>>) target(%dma_start3A_408 : memref<1024xf32, #tpu.memory_space<vmem_shared>>) offsets(%dma_start3A_406 : memref<128xi32, #tpu.memory_space<vmem>>) semaphore(%run_scoped3A_403 : memref<!tpu.dma_semaphore, #tpu.memory_space<semaphore_mem>>) {add = true}
      %dma_wait3A_409 = arith.constant 0 : i32
      %dma_wait3A_410 = tpu.memref_slice %arg6[%run_scoped3A_206, %dma_wait3A_409] : memref<8x128xi32, #tpu.memory_space<vmem>> -> memref<1x128xi32, #tpu.memory_space<vmem>>
      %dma_wait3A_411 = tpu.memref_squeeze %dma_wait3A_410 : memref<1x128xi32, #tpu.memory_space<vmem>> -> memref<128xi32, #tpu.memory_space<vmem>>
      %dma_wait3A_412 = arith.constant 0 : i32
      %dma_wait3A_413 = tpu.memref_slice %arg13[%dma_wait3A_412] : memref<1024xf32, #tpu.memory_space<vmem_shared>> -> memref<1024xf32, #tpu.memory_space<vmem_shared>>
      tpu.wait_indirect_dma semaphore(%run_scoped3A_403 : memref<!tpu.dma_semaphore, #tpu.memory_space<semaphore_mem>>) src(%arg8 : memref<128xf32, #tpu.memory_space<vmem>>) dst(%dma_wait3A_413 : memref<1024xf32, #tpu.memory_space<vmem_shared>>)
      tpu.yield
    }) : () -> ()
    %barrier3A_207 = arith.constant 0 : index
    tpu.barrier barrier_id(%barrier3A_207)
    "tpu.region"() ({
      %run_scoped3A_403 = tpu.sem_alloc : memref<!tpu.dma_semaphore, #tpu.memory_space<semaphore_mem>>
      tpu.enqueue_dma source(%arg13 : memref<1024xf32, #tpu.memory_space<vmem_shared>>) target(%arg9 : memref<1024xf32, #tpu.memory_space<vmem>>) target_semaphore(%run_scoped3A_403 : memref<!tpu.dma_semaphore, #tpu.memory_space<semaphore_mem>>)
      tpu.wait_dma2 semaphore(%run_scoped3A_403 : memref<!tpu.dma_semaphore, #tpu.memory_space<semaphore_mem>>) src(%arg13 : memref<1024xf32, #tpu.memory_space<vmem_shared>>) dst(%arg9 : memref<1024xf32, #tpu.memory_space<vmem>>)
      tpu.yield
    }) : () -> ()
    %get3A = arith.constant 0 : index
    %get3A_208 = tpu.vector_load %arg7[%get3A] {strides = array<i32>} : memref<512xi32, #tpu.memory_space<vmem>>, vector<16xi32>,
    %gather3A = tpu.vector_load_idx %arg9[%get3A_208] : memref<1024xf32, #tpu.memory_space<vmem>>[vector<16xi32>], vector<16xf32>,
    %swap3A_209 = arith.constant 0 : index
    %swap3A_210 = tpu.vector_load %arg10[%swap3A_209] {strides = array<i32>} : memref<512xf32, #tpu.memory_space<vmem>>, vector<16xf32>,
    tpu.vector_store %arg10[%swap3A_209], %gather3A {strides = array<i32>} : memref<512xf32, #tpu.memory_space<vmem>>, vector<16xf32>,
    %get3A_211 = arith.constant 16 : index
    %get3A_212 = tpu.vector_load %arg7[%get3A_211] {strides = array<i32>} : memref<512xi32, #tpu.memory_space<vmem>>, vector<16xi32>,
    %gather3A_213 = tpu.vector_load_idx %arg9[%get3A_212] : memref<1024xf32, #tpu.memory_space<vmem>>[vector<16xi32>], vector<16xf32>,
    %swap3A_214 = arith.constant 16 : index
    %swap3A_215 = tpu.vector_load %arg10[%swap3A_214] {strides = array<i32>} : memref<512xf32, #tpu.memory_space<vmem>>, vector<16xf32>,
    tpu.vector_store %arg10[%swap3A_214], %gather3A_213 {strides = array<i32>} : memref<512xf32, #tpu.memory_space<vmem>>, vector<16xf32>,
    %get3A_216 = arith.constant 32 : index
    %get3A_217 = tpu.vector_load %arg7[%get3A_216] {strides = array<i32>} : memref<512xi32, #tpu.memory_space<vmem>>, vector<16xi32>,
    %gather3A_218 = tpu.vector_load_idx %arg9[%get3A_217] : memref<1024xf32, #tpu.memory_space<vmem>>[vector<16xi32>], vector<16xf32>,
    %swap3A_219 = arith.constant 32 : index
    %swap3A_220 = tpu.vector_load %arg10[%swap3A_219] {strides = array<i32>} : memref<512xf32, #tpu.memory_space<vmem>>, vector<16xf32>,
    tpu.vector_store %arg10[%swap3A_219], %gather3A_218 {strides = array<i32>} : memref<512xf32, #tpu.memory_space<vmem>>, vector<16xf32>,
    %get3A_221 = arith.constant 48 : index
    %get3A_222 = tpu.vector_load %arg7[%get3A_221] {strides = array<i32>} : memref<512xi32, #tpu.memory_space<vmem>>, vector<16xi32>,
    %gather3A_223 = tpu.vector_load_idx %arg9[%get3A_222] : memref<1024xf32, #tpu.memory_space<vmem>>[vector<16xi32>], vector<16xf32>,
    %swap3A_224 = arith.constant 48 : index
    %swap3A_225 = tpu.vector_load %arg10[%swap3A_224] {strides = array<i32>} : memref<512xf32, #tpu.memory_space<vmem>>, vector<16xf32>,
    tpu.vector_store %arg10[%swap3A_224], %gather3A_223 {strides = array<i32>} : memref<512xf32, #tpu.memory_space<vmem>>, vector<16xf32>,
    %get3A_226 = arith.constant 64 : index
    %get3A_227 = tpu.vector_load %arg7[%get3A_226] {strides = array<i32>} : memref<512xi32, #tpu.memory_space<vmem>>, vector<16xi32>,
    %gather3A_228 = tpu.vector_load_idx %arg9[%get3A_227] : memref<1024xf32, #tpu.memory_space<vmem>>[vector<16xi32>], vector<16xf32>,
    %swap3A_229 = arith.constant 64 : index
    %swap3A_230 = tpu.vector_load %arg10[%swap3A_229] {strides = array<i32>} : memref<512xf32, #tpu.memory_space<vmem>>, vector<16xf32>,
    tpu.vector_store %arg10[%swap3A_229], %gather3A_228 {strides = array<i32>} : memref<512xf32, #tpu.memory_space<vmem>>, vector<16xf32>,
    %get3A_231 = arith.constant 80 : index
    %get3A_232 = tpu.vector_load %arg7[%get3A_231] {strides = array<i32>} : memref<512xi32, #tpu.memory_space<vmem>>, vector<16xi32>,
    %gather3A_233 = tpu.vector_load_idx %arg9[%get3A_232] : memref<1024xf32, #tpu.memory_space<vmem>>[vector<16xi32>], vector<16xf32>,
    %swap3A_234 = arith.constant 80 : index
    %swap3A_235 = tpu.vector_load %arg10[%swap3A_234] {strides = array<i32>} : memref<512xf32, #tpu.memory_space<vmem>>, vector<16xf32>,
    tpu.vector_store %arg10[%swap3A_234], %gather3A_233 {strides = array<i32>} : memref<512xf32, #tpu.memory_space<vmem>>, vector<16xf32>,
    %get3A_236 = arith.constant 96 : index
    %get3A_237 = tpu.vector_load %arg7[%get3A_236] {strides = array<i32>} : memref<512xi32, #tpu.memory_space<vmem>>, vector<16xi32>,
    %gather3A_238 = tpu.vector_load_idx %arg9[%get3A_237] : memref<1024xf32, #tpu.memory_space<vmem>>[vector<16xi32>], vector<16xf32>,
    %swap3A_239 = arith.constant 96 : index
    %swap3A_240 = tpu.vector_load %arg10[%swap3A_239] {strides = array<i32>} : memref<512xf32, #tpu.memory_space<vmem>>, vector<16xf32>,
    tpu.vector_store %arg10[%swap3A_239], %gather3A_238 {strides = array<i32>} : memref<512xf32, #tpu.memory_space<vmem>>, vector<16xf32>,
    %get3A_241 = arith.constant 112 : index
    %get3A_242 = tpu.vector_load %arg7[%get3A_241] {strides = array<i32>} : memref<512xi32, #tpu.memory_space<vmem>>, vector<16xi32>,
    %gather3A_243 = tpu.vector_load_idx %arg9[%get3A_242] : memref<1024xf32, #tpu.memory_space<vmem>>[vector<16xi32>], vector<16xf32>,
    %swap3A_244 = arith.constant 112 : index
    %swap3A_245 = tpu.vector_load %arg10[%swap3A_244] {strides = array<i32>} : memref<512xf32, #tpu.memory_space<vmem>>, vector<16xf32>,
    tpu.vector_store %arg10[%swap3A_244], %gather3A_243 {strides = array<i32>} : memref<512xf32, #tpu.memory_space<vmem>>, vector<16xf32>,
    %get3A_246 = arith.constant 128 : index
    %get3A_247 = tpu.vector_load %arg7[%get3A_246] {strides = array<i32>} : memref<512xi32, #tpu.memory_space<vmem>>, vector<16xi32>,
    %gather3A_248 = tpu.vector_load_idx %arg9[%get3A_247] : memref<1024xf32, #tpu.memory_space<vmem>>[vector<16xi32>], vector<16xf32>,
    %swap3A_249 = arith.constant 128 : index
    %swap3A_250 = tpu.vector_load %arg10[%swap3A_249] {strides = array<i32>} : memref<512xf32, #tpu.memory_space<vmem>>, vector<16xf32>,
    tpu.vector_store %arg10[%swap3A_249], %gather3A_248 {strides = array<i32>} : memref<512xf32, #tpu.memory_space<vmem>>, vector<16xf32>,
    %get3A_251 = arith.constant 144 : index
    %get3A_252 = tpu.vector_load %arg7[%get3A_251] {strides = array<i32>} : memref<512xi32, #tpu.memory_space<vmem>>, vector<16xi32>,
    %gather3A_253 = tpu.vector_load_idx %arg9[%get3A_252] : memref<1024xf32, #tpu.memory_space<vmem>>[vector<16xi32>], vector<16xf32>,
    %swap3A_254 = arith.constant 144 : index
    %swap3A_255 = tpu.vector_load %arg10[%swap3A_254] {strides = array<i32>} : memref<512xf32, #tpu.memory_space<vmem>>, vector<16xf32>,
    tpu.vector_store %arg10[%swap3A_254], %gather3A_253 {strides = array<i32>} : memref<512xf32, #tpu.memory_space<vmem>>, vector<16xf32>,
    %get3A_256 = arith.constant 160 : index
    %get3A_257 = tpu.vector_load %arg7[%get3A_256] {strides = array<i32>} : memref<512xi32, #tpu.memory_space<vmem>>, vector<16xi32>,
    %gather3A_258 = tpu.vector_load_idx %arg9[%get3A_257] : memref<1024xf32, #tpu.memory_space<vmem>>[vector<16xi32>], vector<16xf32>,
    %swap3A_259 = arith.constant 160 : index
    %swap3A_260 = tpu.vector_load %arg10[%swap3A_259] {strides = array<i32>} : memref<512xf32, #tpu.memory_space<vmem>>, vector<16xf32>,
    tpu.vector_store %arg10[%swap3A_259], %gather3A_258 {strides = array<i32>} : memref<512xf32, #tpu.memory_space<vmem>>, vector<16xf32>,
    %get3A_261 = arith.constant 176 : index
    %get3A_262 = tpu.vector_load %arg7[%get3A_261] {strides = array<i32>} : memref<512xi32, #tpu.memory_space<vmem>>, vector<16xi32>,
    %gather3A_263 = tpu.vector_load_idx %arg9[%get3A_262] : memref<1024xf32, #tpu.memory_space<vmem>>[vector<16xi32>], vector<16xf32>,
    %swap3A_264 = arith.constant 176 : index
    %swap3A_265 = tpu.vector_load %arg10[%swap3A_264] {strides = array<i32>} : memref<512xf32, #tpu.memory_space<vmem>>, vector<16xf32>,
    tpu.vector_store %arg10[%swap3A_264], %gather3A_263 {strides = array<i32>} : memref<512xf32, #tpu.memory_space<vmem>>, vector<16xf32>,
    %get3A_266 = arith.constant 192 : index
    %get3A_267 = tpu.vector_load %arg7[%get3A_266] {strides = array<i32>} : memref<512xi32, #tpu.memory_space<vmem>>, vector<16xi32>,
    %gather3A_268 = tpu.vector_load_idx %arg9[%get3A_267] : memref<1024xf32, #tpu.memory_space<vmem>>[vector<16xi32>], vector<16xf32>,
    %swap3A_269 = arith.constant 192 : index
    %swap3A_270 = tpu.vector_load %arg10[%swap3A_269] {strides = array<i32>} : memref<512xf32, #tpu.memory_space<vmem>>, vector<16xf32>,
    tpu.vector_store %arg10[%swap3A_269], %gather3A_268 {strides = array<i32>} : memref<512xf32, #tpu.memory_space<vmem>>, vector<16xf32>,
    %get3A_271 = arith.constant 208 : index
    %get3A_272 = tpu.vector_load %arg7[%get3A_271] {strides = array<i32>} : memref<512xi32, #tpu.memory_space<vmem>>, vector<16xi32>,
    %gather3A_273 = tpu.vector_load_idx %arg9[%get3A_272] : memref<1024xf32, #tpu.memory_space<vmem>>[vector<16xi32>], vector<16xf32>,
    %swap3A_274 = arith.constant 208 : index
    %swap3A_275 = tpu.vector_load %arg10[%swap3A_274] {strides = array<i32>} : memref<512xf32, #tpu.memory_space<vmem>>, vector<16xf32>,
    tpu.vector_store %arg10[%swap3A_274], %gather3A_273 {strides = array<i32>} : memref<512xf32, #tpu.memory_space<vmem>>, vector<16xf32>,
    %get3A_276 = arith.constant 224 : index
    %get3A_277 = tpu.vector_load %arg7[%get3A_276] {strides = array<i32>} : memref<512xi32, #tpu.memory_space<vmem>>, vector<16xi32>,
    %gather3A_278 = tpu.vector_load_idx %arg9[%get3A_277] : memref<1024xf32, #tpu.memory_space<vmem>>[vector<16xi32>], vector<16xf32>,
    %swap3A_279 = arith.constant 224 : index
    %swap3A_280 = tpu.vector_load %arg10[%swap3A_279] {strides = array<i32>} : memref<512xf32, #tpu.memory_space<vmem>>, vector<16xf32>,
    tpu.vector_store %arg10[%swap3A_279], %gather3A_278 {strides = array<i32>} : memref<512xf32, #tpu.memory_space<vmem>>, vector<16xf32>,
    %get3A_281 = arith.constant 240 : index
    %get3A_282 = tpu.vector_load %arg7[%get3A_281] {strides = array<i32>} : memref<512xi32, #tpu.memory_space<vmem>>, vector<16xi32>,
    %gather3A_283 = tpu.vector_load_idx %arg9[%get3A_282] : memref<1024xf32, #tpu.memory_space<vmem>>[vector<16xi32>], vector<16xf32>,
    %swap3A_284 = arith.constant 240 : index
    %swap3A_285 = tpu.vector_load %arg10[%swap3A_284] {strides = array<i32>} : memref<512xf32, #tpu.memory_space<vmem>>, vector<16xf32>,
    tpu.vector_store %arg10[%swap3A_284], %gather3A_283 {strides = array<i32>} : memref<512xf32, #tpu.memory_space<vmem>>, vector<16xf32>,
    %get3A_286 = arith.constant 256 : index
    %get3A_287 = tpu.vector_load %arg7[%get3A_286] {strides = array<i32>} : memref<512xi32, #tpu.memory_space<vmem>>, vector<16xi32>,
    %gather3A_288 = tpu.vector_load_idx %arg9[%get3A_287] : memref<1024xf32, #tpu.memory_space<vmem>>[vector<16xi32>], vector<16xf32>,
    %swap3A_289 = arith.constant 256 : index
    %swap3A_290 = tpu.vector_load %arg10[%swap3A_289] {strides = array<i32>} : memref<512xf32, #tpu.memory_space<vmem>>, vector<16xf32>,
    tpu.vector_store %arg10[%swap3A_289], %gather3A_288 {strides = array<i32>} : memref<512xf32, #tpu.memory_space<vmem>>, vector<16xf32>,
    %get3A_291 = arith.constant 272 : index
    %get3A_292 = tpu.vector_load %arg7[%get3A_291] {strides = array<i32>} : memref<512xi32, #tpu.memory_space<vmem>>, vector<16xi32>,
    %gather3A_293 = tpu.vector_load_idx %arg9[%get3A_292] : memref<1024xf32, #tpu.memory_space<vmem>>[vector<16xi32>], vector<16xf32>,
    %swap3A_294 = arith.constant 272 : index
    %swap3A_295 = tpu.vector_load %arg10[%swap3A_294] {strides = array<i32>} : memref<512xf32, #tpu.memory_space<vmem>>, vector<16xf32>,
    tpu.vector_store %arg10[%swap3A_294], %gather3A_293 {strides = array<i32>} : memref<512xf32, #tpu.memory_space<vmem>>, vector<16xf32>,
    %get3A_296 = arith.constant 288 : index
    %get3A_297 = tpu.vector_load %arg7[%get3A_296] {strides = array<i32>} : memref<512xi32, #tpu.memory_space<vmem>>, vector<16xi32>,
    %gather3A_298 = tpu.vector_load_idx %arg9[%get3A_297] : memref<1024xf32, #tpu.memory_space<vmem>>[vector<16xi32>], vector<16xf32>,
    %swap3A_299 = arith.constant 288 : index
    %swap3A_300 = tpu.vector_load %arg10[%swap3A_299] {strides = array<i32>} : memref<512xf32, #tpu.memory_space<vmem>>, vector<16xf32>,
    tpu.vector_store %arg10[%swap3A_299], %gather3A_298 {strides = array<i32>} : memref<512xf32, #tpu.memory_space<vmem>>, vector<16xf32>,
    %get3A_301 = arith.constant 304 : index
    %get3A_302 = tpu.vector_load %arg7[%get3A_301] {strides = array<i32>} : memref<512xi32, #tpu.memory_space<vmem>>, vector<16xi32>,
    %gather3A_303 = tpu.vector_load_idx %arg9[%get3A_302] : memref<1024xf32, #tpu.memory_space<vmem>>[vector<16xi32>], vector<16xf32>,
    %swap3A_304 = arith.constant 304 : index
    %swap3A_305 = tpu.vector_load %arg10[%swap3A_304] {strides = array<i32>} : memref<512xf32, #tpu.memory_space<vmem>>, vector<16xf32>,
    tpu.vector_store %arg10[%swap3A_304], %gather3A_303 {strides = array<i32>} : memref<512xf32, #tpu.memory_space<vmem>>, vector<16xf32>,
    %get3A_306 = arith.constant 320 : index
    %get3A_307 = tpu.vector_load %arg7[%get3A_306] {strides = array<i32>} : memref<512xi32, #tpu.memory_space<vmem>>, vector<16xi32>,
    %gather3A_308 = tpu.vector_load_idx %arg9[%get3A_307] : memref<1024xf32, #tpu.memory_space<vmem>>[vector<16xi32>], vector<16xf32>,
    %swap3A_309 = arith.constant 320 : index
    %swap3A_310 = tpu.vector_load %arg10[%swap3A_309] {strides = array<i32>} : memref<512xf32, #tpu.memory_space<vmem>>, vector<16xf32>,
    tpu.vector_store %arg10[%swap3A_309], %gather3A_308 {strides = array<i32>} : memref<512xf32, #tpu.memory_space<vmem>>, vector<16xf32>,
    %get3A_311 = arith.constant 336 : index
    %get3A_312 = tpu.vector_load %arg7[%get3A_311] {strides = array<i32>} : memref<512xi32, #tpu.memory_space<vmem>>, vector<16xi32>,
    %gather3A_313 = tpu.vector_load_idx %arg9[%get3A_312] : memref<1024xf32, #tpu.memory_space<vmem>>[vector<16xi32>], vector<16xf32>,
    %swap3A_314 = arith.constant 336 : index
    %swap3A_315 = tpu.vector_load %arg10[%swap3A_314] {strides = array<i32>} : memref<512xf32, #tpu.memory_space<vmem>>, vector<16xf32>,
    tpu.vector_store %arg10[%swap3A_314], %gather3A_313 {strides = array<i32>} : memref<512xf32, #tpu.memory_space<vmem>>, vector<16xf32>,
    %get3A_316 = arith.constant 352 : index
    %get3A_317 = tpu.vector_load %arg7[%get3A_316] {strides = array<i32>} : memref<512xi32, #tpu.memory_space<vmem>>, vector<16xi32>,
    %gather3A_318 = tpu.vector_load_idx %arg9[%get3A_317] : memref<1024xf32, #tpu.memory_space<vmem>>[vector<16xi32>], vector<16xf32>,
    %swap3A_319 = arith.constant 352 : index
    %swap3A_320 = tpu.vector_load %arg10[%swap3A_319] {strides = array<i32>} : memref<512xf32, #tpu.memory_space<vmem>>, vector<16xf32>,
    tpu.vector_store %arg10[%swap3A_319], %gather3A_318 {strides = array<i32>} : memref<512xf32, #tpu.memory_space<vmem>>, vector<16xf32>,
    %get3A_321 = arith.constant 368 : index
    %get3A_322 = tpu.vector_load %arg7[%get3A_321] {strides = array<i32>} : memref<512xi32, #tpu.memory_space<vmem>>, vector<16xi32>,
    %gather3A_323 = tpu.vector_load_idx %arg9[%get3A_322] : memref<1024xf32, #tpu.memory_space<vmem>>[vector<16xi32>], vector<16xf32>,
    %swap3A_324 = arith.constant 368 : index
    %swap3A_325 = tpu.vector_load %arg10[%swap3A_324] {strides = array<i32>} : memref<512xf32, #tpu.memory_space<vmem>>, vector<16xf32>,
    tpu.vector_store %arg10[%swap3A_324], %gather3A_323 {strides = array<i32>} : memref<512xf32, #tpu.memory_space<vmem>>, vector<16xf32>,
    %get3A_326 = arith.constant 384 : index
    %get3A_327 = tpu.vector_load %arg7[%get3A_326] {strides = array<i32>} : memref<512xi32, #tpu.memory_space<vmem>>, vector<16xi32>,
    %gather3A_328 = tpu.vector_load_idx %arg9[%get3A_327] : memref<1024xf32, #tpu.memory_space<vmem>>[vector<16xi32>], vector<16xf32>,
    %swap3A_329 = arith.constant 384 : index
    %swap3A_330 = tpu.vector_load %arg10[%swap3A_329] {strides = array<i32>} : memref<512xf32, #tpu.memory_space<vmem>>, vector<16xf32>,
    tpu.vector_store %arg10[%swap3A_329], %gather3A_328 {strides = array<i32>} : memref<512xf32, #tpu.memory_space<vmem>>, vector<16xf32>,
    %get3A_331 = arith.constant 400 : index
    %get3A_332 = tpu.vector_load %arg7[%get3A_331] {strides = array<i32>} : memref<512xi32, #tpu.memory_space<vmem>>, vector<16xi32>,
    %gather3A_333 = tpu.vector_load_idx %arg9[%get3A_332] : memref<1024xf32, #tpu.memory_space<vmem>>[vector<16xi32>], vector<16xf32>,
    %swap3A_334 = arith.constant 400 : index
    %swap3A_335 = tpu.vector_load %arg10[%swap3A_334] {strides = array<i32>} : memref<512xf32, #tpu.memory_space<vmem>>, vector<16xf32>,
    tpu.vector_store %arg10[%swap3A_334], %gather3A_333 {strides = array<i32>} : memref<512xf32, #tpu.memory_space<vmem>>, vector<16xf32>,
    %get3A_336 = arith.constant 416 : index
    %get3A_337 = tpu.vector_load %arg7[%get3A_336] {strides = array<i32>} : memref<512xi32, #tpu.memory_space<vmem>>, vector<16xi32>,
    %gather3A_338 = tpu.vector_load_idx %arg9[%get3A_337] : memref<1024xf32, #tpu.memory_space<vmem>>[vector<16xi32>], vector<16xf32>,
    %swap3A_339 = arith.constant 416 : index
    %swap3A_340 = tpu.vector_load %arg10[%swap3A_339] {strides = array<i32>} : memref<512xf32, #tpu.memory_space<vmem>>, vector<16xf32>,
    tpu.vector_store %arg10[%swap3A_339], %gather3A_338 {strides = array<i32>} : memref<512xf32, #tpu.memory_space<vmem>>, vector<16xf32>,
    %get3A_341 = arith.constant 432 : index
    %get3A_342 = tpu.vector_load %arg7[%get3A_341] {strides = array<i32>} : memref<512xi32, #tpu.memory_space<vmem>>, vector<16xi32>,
    %gather3A_343 = tpu.vector_load_idx %arg9[%get3A_342] : memref<1024xf32, #tpu.memory_space<vmem>>[vector<16xi32>], vector<16xf32>,
    %swap3A_344 = arith.constant 432 : index
    %swap3A_345 = tpu.vector_load %arg10[%swap3A_344] {strides = array<i32>} : memref<512xf32, #tpu.memory_space<vmem>>, vector<16xf32>,
    tpu.vector_store %arg10[%swap3A_344], %gather3A_343 {strides = array<i32>} : memref<512xf32, #tpu.memory_space<vmem>>, vector<16xf32>,
    %get3A_346 = arith.constant 448 : index
    %get3A_347 = tpu.vector_load %arg7[%get3A_346] {strides = array<i32>} : memref<512xi32, #tpu.memory_space<vmem>>, vector<16xi32>,
    %gather3A_348 = tpu.vector_load_idx %arg9[%get3A_347] : memref<1024xf32, #tpu.memory_space<vmem>>[vector<16xi32>], vector<16xf32>,
    %swap3A_349 = arith.constant 448 : index
    %swap3A_350 = tpu.vector_load %arg10[%swap3A_349] {strides = array<i32>} : memref<512xf32, #tpu.memory_space<vmem>>, vector<16xf32>,
    tpu.vector_store %arg10[%swap3A_349], %gather3A_348 {strides = array<i32>} : memref<512xf32, #tpu.memory_space<vmem>>, vector<16xf32>,
    %get3A_351 = arith.constant 464 : index
    %get3A_352 = tpu.vector_load %arg7[%get3A_351] {strides = array<i32>} : memref<512xi32, #tpu.memory_space<vmem>>, vector<16xi32>,
    %gather3A_353 = tpu.vector_load_idx %arg9[%get3A_352] : memref<1024xf32, #tpu.memory_space<vmem>>[vector<16xi32>], vector<16xf32>,
    %swap3A_354 = arith.constant 464 : index
    %swap3A_355 = tpu.vector_load %arg10[%swap3A_354] {strides = array<i32>} : memref<512xf32, #tpu.memory_space<vmem>>, vector<16xf32>,
    tpu.vector_store %arg10[%swap3A_354], %gather3A_353 {strides = array<i32>} : memref<512xf32, #tpu.memory_space<vmem>>, vector<16xf32>,
    %get3A_356 = arith.constant 480 : index
    %get3A_357 = tpu.vector_load %arg7[%get3A_356] {strides = array<i32>} : memref<512xi32, #tpu.memory_space<vmem>>, vector<16xi32>,
    %gather3A_358 = tpu.vector_load_idx %arg9[%get3A_357] : memref<1024xf32, #tpu.memory_space<vmem>>[vector<16xi32>], vector<16xf32>,
    %swap3A_359 = arith.constant 480 : index
    %swap3A_360 = tpu.vector_load %arg10[%swap3A_359] {strides = array<i32>} : memref<512xf32, #tpu.memory_space<vmem>>, vector<16xf32>,
    tpu.vector_store %arg10[%swap3A_359], %gather3A_358 {strides = array<i32>} : memref<512xf32, #tpu.memory_space<vmem>>, vector<16xf32>,
    %get3A_361 = arith.constant 496 : index
    %get3A_362 = tpu.vector_load %arg7[%get3A_361] {strides = array<i32>} : memref<512xi32, #tpu.memory_space<vmem>>, vector<16xi32>,
    %gather3A_363 = tpu.vector_load_idx %arg9[%get3A_362] : memref<1024xf32, #tpu.memory_space<vmem>>[vector<16xi32>], vector<16xf32>,
    %swap3A_364 = arith.constant 496 : index
    %swap3A_365 = tpu.vector_load %arg10[%swap3A_364] {strides = array<i32>} : memref<512xf32, #tpu.memory_space<vmem>>, vector<16xf32>,
    tpu.vector_store %arg10[%swap3A_364], %gather3A_363 {strides = array<i32>} : memref<512xf32, #tpu.memory_space<vmem>>, vector<16xf32>,
    "tpu.region"() ({
      %run_scoped3A_403 = tpu.sem_alloc : memref<!tpu.dma_semaphore, #tpu.memory_space<semaphore_mem>>
      %dma_start3A_404 = tpu.memref_slice %arg5[%mul3A_2] : memref<16384xf32, #tpu.memory_space<hbm>> -> memref<512xf32, #tpu.memory_space<hbm>>
      %dma_start3A_405 = tpu.memref_slice %arg5[%mul3A_2] : memref<16384xf32, #tpu.memory_space<hbm>> -> memref<512xf32, #tpu.memory_space<hbm>>
      tpu.enqueue_dma source(%arg10 : memref<512xf32, #tpu.memory_space<vmem>>) target(%dma_start3A_405 : memref<512xf32, #tpu.memory_space<hbm>>) target_semaphore(%run_scoped3A_403 : memref<!tpu.dma_semaphore, #tpu.memory_space<semaphore_mem>>)
      %dma_wait3A_406 = tpu.memref_slice %arg5[%mul3A_2] : memref<16384xf32, #tpu.memory_space<hbm>> -> memref<512xf32, #tpu.memory_space<hbm>>
      %dma_wait3A_407 = tpu.memref_slice %arg5[%mul3A_2] : memref<16384xf32, #tpu.memory_space<hbm>> -> memref<512xf32, #tpu.memory_space<hbm>>
      tpu.wait_dma2 semaphore(%run_scoped3A_403 : memref<!tpu.dma_semaphore, #tpu.memory_space<semaphore_mem>>) src(%arg10 : memref<512xf32, #tpu.memory_space<vmem>>) dst(%dma_wait3A_407 : memref<512xf32, #tpu.memory_space<hbm>>)
      tpu.yield
    }) : () -> ()
    %dma_wait3A = arith.constant 0 : i32
    %dma_wait3A_366 = tpu.memref_slice %arg7[%dma_wait3A] : memref<512xi32, #tpu.memory_space<vmem>> -> memref<128xi32, #tpu.memory_space<vmem>>
    %dma_wait3A_367 = arith.constant 0 : i32
    %dma_wait3A_368 = arith.constant 0 : i32
    %dma_wait3A_369 = tpu.memref_slice %arg2[%dma_wait3A_367, %dma_wait3A_368] : memref<1000x256xi32, #tpu.memory_space<hbm>> -> memref<1000x256xi32, #tpu.memory_space<hbm>>
    tpu.wait_indirect_dma semaphore(%arg14 : memref<!tpu.dma_semaphore, #tpu.memory_space<semaphore_mem>>) src(%dma_wait3A_369 : memref<1000x256xi32, #tpu.memory_space<hbm>>) dst(%arg11 : memref<128x256xi32, #tpu.memory_space<vmem>>)
    %add3A_370 = arith.constant 0 : i32
    %add3A_371 = arith.addi %mul3A_2, %add3A_370 : i32
    "tpu.region"() ({
      %run_scoped3A_403 = tpu.sem_alloc : memref<!tpu.dma_semaphore, #tpu.memory_space<semaphore_mem>>
      %dma_start3A_404 = arith.constant 0 : i32
      %dma_start3A_405 = tpu.memref_slice %arg4[%add3A_371, %dma_start3A_404] : memref<16384x256xi32, #tpu.memory_space<hbm>> -> memref<128x256xi32, #tpu.memory_space<hbm>>
      %dma_start3A_406 = arith.constant 0 : i32
      %dma_start3A_407 = tpu.memref_slice %arg4[%add3A_371, %dma_start3A_406] : memref<16384x256xi32, #tpu.memory_space<hbm>> -> memref<128x256xi32, #tpu.memory_space<hbm>>
      tpu.enqueue_dma source(%arg11 : memref<128x256xi32, #tpu.memory_space<vmem>>) target(%dma_start3A_407 : memref<128x256xi32, #tpu.memory_space<hbm>>) target_semaphore(%run_scoped3A_403 : memref<!tpu.dma_semaphore, #tpu.memory_space<semaphore_mem>>)
      %dma_wait3A_408 = arith.constant 0 : i32
      %dma_wait3A_409 = tpu.memref_slice %arg4[%add3A_371, %dma_wait3A_408] : memref<16384x256xi32, #tpu.memory_space<hbm>> -> memref<128x256xi32, #tpu.memory_space<hbm>>
      %dma_wait3A_410 = arith.constant 0 : i32
      %dma_wait3A_411 = tpu.memref_slice %arg4[%add3A_371, %dma_wait3A_410] : memref<16384x256xi32, #tpu.memory_space<hbm>> -> memref<128x256xi32, #tpu.memory_space<hbm>>
      tpu.wait_dma2 semaphore(%run_scoped3A_403 : memref<!tpu.dma_semaphore, #tpu.memory_space<semaphore_mem>>) src(%arg11 : memref<128x256xi32, #tpu.memory_space<vmem>>) dst(%dma_wait3A_411 : memref<128x256xi32, #tpu.memory_space<hbm>>)
      tpu.yield
    }) : () -> ()
    %dma_start3A_372 = arith.constant 256 : i32
    %dma_start3A_373 = tpu.memref_slice %arg7[%dma_start3A_372] : memref<512xi32, #tpu.memory_space<vmem>> -> memref<128xi32, #tpu.memory_space<vmem>>
    %dma_start3A_374 = arith.constant 0 : i32
    %dma_start3A_375 = arith.constant 0 : i32
    %dma_start3A_376 = tpu.memref_slice %arg2[%dma_start3A_374, %dma_start3A_375] : memref<1000x256xi32, #tpu.memory_space<hbm>> -> memref<1000x256xi32, #tpu.memory_space<hbm>>
    tpu.enqueue_indirect_dma source(%dma_start3A_376 : memref<1000x256xi32, #tpu.memory_space<hbm>>) target(%arg11 : memref<128x256xi32, #tpu.memory_space<vmem>>) offsets(%dma_start3A_373 : memref<128xi32, #tpu.memory_space<vmem>>) semaphore(%arg14 : memref<!tpu.dma_semaphore, #tpu.memory_space<semaphore_mem>>)
    %dma_wait3A_377 = arith.constant 128 : i32
    %dma_wait3A_378 = tpu.memref_slice %arg7[%dma_wait3A_377] : memref<512xi32, #tpu.memory_space<vmem>> -> memref<128xi32, #tpu.memory_space<vmem>>
    %dma_wait3A_379 = arith.constant 0 : i32
    %dma_wait3A_380 = arith.constant 0 : i32
    %dma_wait3A_381 = tpu.memref_slice %arg2[%dma_wait3A_379, %dma_wait3A_380] : memref<1000x256xi32, #tpu.memory_space<hbm>> -> memref<1000x256xi32, #tpu.memory_space<hbm>>
    tpu.wait_indirect_dma semaphore(%arg15 : memref<!tpu.dma_semaphore, #tpu.memory_space<semaphore_mem>>) src(%dma_wait3A_381 : memref<1000x256xi32, #tpu.memory_space<hbm>>) dst(%arg12 : memref<128x256xi32, #tpu.memory_space<vmem>>)
    %add3A_382 = arith.constant 128 : i32
    %add3A_383 = arith.addi %mul3A_2, %add3A_382 : i32
    "tpu.region"() ({
      %run_scoped3A_403 = tpu.sem_alloc : memref<!tpu.dma_semaphore, #tpu.memory_space<semaphore_mem>>
      %dma_start3A_404 = arith.constant 0 : i32
      %dma_start3A_405 = tpu.memref_slice %arg4[%add3A_383, %dma_start3A_404] : memref<16384x256xi32, #tpu.memory_space<hbm>> -> memref<128x256xi32, #tpu.memory_space<hbm>>
      %dma_start3A_406 = arith.constant 0 : i32
      %dma_start3A_407 = tpu.memref_slice %arg4[%add3A_383, %dma_start3A_406] : memref<16384x256xi32, #tpu.memory_space<hbm>> -> memref<128x256xi32, #tpu.memory_space<hbm>>
      tpu.enqueue_dma source(%arg12 : memref<128x256xi32, #tpu.memory_space<vmem>>) target(%dma_start3A_407 : memref<128x256xi32, #tpu.memory_space<hbm>>) target_semaphore(%run_scoped3A_403 : memref<!tpu.dma_semaphore, #tpu.memory_space<semaphore_mem>>)
      %dma_wait3A_408 = arith.constant 0 : i32
      %dma_wait3A_409 = tpu.memref_slice %arg4[%add3A_383, %dma_wait3A_408] : memref<16384x256xi32, #tpu.memory_space<hbm>> -> memref<128x256xi32, #tpu.memory_space<hbm>>
      %dma_wait3A_410 = arith.constant 0 : i32
      %dma_wait3A_411 = tpu.memref_slice %arg4[%add3A_383, %dma_wait3A_410] : memref<16384x256xi32, #tpu.memory_space<hbm>> -> memref<128x256xi32, #tpu.memory_space<hbm>>
      tpu.wait_dma2 semaphore(%run_scoped3A_403 : memref<!tpu.dma_semaphore, #tpu.memory_space<semaphore_mem>>) src(%arg12 : memref<128x256xi32, #tpu.memory_space<vmem>>) dst(%dma_wait3A_411 : memref<128x256xi32, #tpu.memory_space<hbm>>)
      tpu.yield
    }) : () -> ()
    %dma_start3A_384 = arith.constant 384 : i32
    %dma_start3A_385 = tpu.memref_slice %arg7[%dma_start3A_384] : memref<512xi32, #tpu.memory_space<vmem>> -> memref<128xi32, #tpu.memory_space<vmem>>
    %dma_start3A_386 = arith.constant 0 : i32
    %dma_start3A_387 = arith.constant 0 : i32
    %dma_start3A_388 = tpu.memref_slice %arg2[%dma_start3A_386, %dma_start3A_387] : memref<1000x256xi32, #tpu.memory_space<hbm>> -> memref<1000x256xi32, #tpu.memory_space<hbm>>
    tpu.enqueue_indirect_dma source(%dma_start3A_388 : memref<1000x256xi32, #tpu.memory_space<hbm>>) target(%arg12 : memref<128x256xi32, #tpu.memory_space<vmem>>) offsets(%dma_start3A_385 : memref<128xi32, #tpu.memory_space<vmem>>) semaphore(%arg15 : memref<!tpu.dma_semaphore, #tpu.memory_space<semaphore_mem>>)
    %dma_wait3A_389 = arith.constant 256 : i32
    %dma_wait3A_390 = tpu.memref_slice %arg7[%dma_wait3A_389] : memref<512xi32, #tpu.memory_space<vmem>> -> memref<128xi32, #tpu.memory_space<vmem>>
    %dma_wait3A_391 = arith.constant 0 : i32
    %dma_wait3A_392 = arith.constant 0 : i32
    %dma_wait3A_393 = tpu.memref_slice %arg2[%dma_wait3A_391, %dma_wait3A_392] : memref<1000x256xi32, #tpu.memory_space<hbm>> -> memref<1000x256xi32, #tpu.memory_space<hbm>>
    tpu.wait_indirect_dma semaphore(%arg14 : memref<!tpu.dma_semaphore, #tpu.memory_space<semaphore_mem>>) src(%dma_wait3A_393 : memref<1000x256xi32, #tpu.memory_space<hbm>>) dst(%arg11 : memref<128x256xi32, #tpu.memory_space<vmem>>)
    %add3A_394 = arith.constant 256 : i32
    %add3A_395 = arith.addi %mul3A_2, %add3A_394 : i32
    "tpu.region"() ({
      %run_scoped3A_403 = tpu.sem_alloc : memref<!tpu.dma_semaphore, #tpu.memory_space<semaphore_mem>>
      %dma_start3A_404 = arith.constant 0 : i32
      %dma_start3A_405 = tpu.memref_slice %arg4[%add3A_395, %dma_start3A_404] : memref<16384x256xi32, #tpu.memory_space<hbm>> -> memref<128x256xi32, #tpu.memory_space<hbm>>
      %dma_start3A_406 = arith.constant 0 : i32
      %dma_start3A_407 = tpu.memref_slice %arg4[%add3A_395, %dma_start3A_406] : memref<16384x256xi32, #tpu.memory_space<hbm>> -> memref<128x256xi32, #tpu.memory_space<hbm>>
      tpu.enqueue_dma source(%arg11 : memref<128x256xi32, #tpu.memory_space<vmem>>) target(%dma_start3A_407 : memref<128x256xi32, #tpu.memory_space<hbm>>) target_semaphore(%run_scoped3A_403 : memref<!tpu.dma_semaphore, #tpu.memory_space<semaphore_mem>>)
      %dma_wait3A_408 = arith.constant 0 : i32
      %dma_wait3A_409 = tpu.memref_slice %arg4[%add3A_395, %dma_wait3A_408] : memref<16384x256xi32, #tpu.memory_space<hbm>> -> memref<128x256xi32, #tpu.memory_space<hbm>>
      %dma_wait3A_410 = arith.constant 0 : i32
      %dma_wait3A_411 = tpu.memref_slice %arg4[%add3A_395, %dma_wait3A_410] : memref<16384x256xi32, #tpu.memory_space<hbm>> -> memref<128x256xi32, #tpu.memory_space<hbm>>
      tpu.wait_dma2 semaphore(%run_scoped3A_403 : memref<!tpu.dma_semaphore, #tpu.memory_space<semaphore_mem>>) src(%arg11 : memref<128x256xi32, #tpu.memory_space<vmem>>) dst(%dma_wait3A_411 : memref<128x256xi32, #tpu.memory_space<hbm>>)
      tpu.yield
    }) : () -> ()
    %dma_wait3A_396 = arith.constant 384 : i32
    %dma_wait3A_397 = tpu.memref_slice %arg7[%dma_wait3A_396] : memref<512xi32, #tpu.memory_space<vmem>> -> memref<128xi32, #tpu.memory_space<vmem>>
    %dma_wait3A_398 = arith.constant 0 : i32
    %dma_wait3A_399 = arith.constant 0 : i32
    %dma_wait3A_400 = tpu.memref_slice %arg2[%dma_wait3A_398, %dma_wait3A_399] : memref<1000x256xi32, #tpu.memory_space<hbm>> -> memref<1000x256xi32, #tpu.memory_space<hbm>>
    tpu.wait_indirect_dma semaphore(%arg15 : memref<!tpu.dma_semaphore, #tpu.memory_space<semaphore_mem>>) src(%dma_wait3A_400 : memref<1000x256xi32, #tpu.memory_space<hbm>>) dst(%arg12 : memref<128x256xi32, #tpu.memory_space<vmem>>)
    %add3A_401 = arith.constant 384 : i32
    %add3A_402 = arith.addi %mul3A_2, %add3A_401 : i32
    "tpu.region"() ({
      %run_scoped3A_403 = tpu.sem_alloc : memref<!tpu.dma_semaphore, #tpu.memory_space<semaphore_mem>>
      %dma_start3A_404 = arith.constant 0 : i32
      %dma_start3A_405 = tpu.memref_slice %arg4[%add3A_402, %dma_start3A_404] : memref<16384x256xi32, #tpu.memory_space<hbm>> -> memref<128x256xi32, #tpu.memory_space<hbm>>
      %dma_start3A_406 = arith.constant 0 : i32
      %dma_start3A_407 = tpu.memref_slice %arg4[%add3A_402, %dma_start3A_406] : memref<16384x256xi32, #tpu.memory_space<hbm>> -> memref<128x256xi32, #tpu.memory_space<hbm>>
      tpu.enqueue_dma source(%arg12 : memref<128x256xi32, #tpu.memory_space<vmem>>) target(%dma_start3A_407 : memref<128x256xi32, #tpu.memory_space<hbm>>) target_semaphore(%run_scoped3A_403 : memref<!tpu.dma_semaphore, #tpu.memory_space<semaphore_mem>>)
      %dma_wait3A_408 = arith.constant 0 : i32
      %dma_wait3A_409 = tpu.memref_slice %arg4[%add3A_402, %dma_wait3A_408] : memref<16384x256xi32, #tpu.memory_space<hbm>> -> memref<128x256xi32, #tpu.memory_space<hbm>>
      %dma_wait3A_410 = arith.constant 0 : i32
      %dma_wait3A_411 = tpu.memref_slice %arg4[%add3A_402, %dma_wait3A_410] : memref<16384x256xi32, #tpu.memory_space<hbm>> -> memref<128x256xi32, #tpu.memory_space<hbm>>
      tpu.wait_dma2 semaphore(%run_scoped3A_403 : memref<!tpu.dma_semaphore, #tpu.memory_space<semaphore_mem>>) src(%arg12 : memref<128x256xi32, #tpu.memory_space<vmem>>) dst(%dma_wait3A_411 : memref<128x256xi32, #tpu.memory_space<hbm>>)
      tpu.yield
    }) : () -> ()
    return
  }
}

module attributes {stable_mosaic.version = 14 : i64} {
  func.func @_tc_probe_body(%arg0: i32, %arg1: memref<4096x512xf32, #tpu.memory_space<vmem>>, %arg2: memref<4096x256xi32, #tpu.memory_space<vmem>>, %arg3: memref<1x1xf32, #tpu.memory_space<smem>>) attributes {dimension_semantics = [#tpu.dimension_semantics<arbitrary>], iteration_bounds = array<i64: 4>, scalar_prefetch = 0 : i64, scratch_operands = 0 : i64, tpu.core_type = #tpu.core_type<tc>, window_params = [{transform_indices = @transform_0, window_bounds = array<i64: 4096, 512>}, {transform_indices = @transform_1, window_bounds = array<i64: 4096, 256>}, {transform_indices = @transform_2, window_bounds = array<i64: 1, 1>}]} {
    %get3A = arith.constant 0 : index
    %get3A_0 = arith.constant 0 : index
    %get3A_1 = vector.load %arg1[%get3A, %get3A_0] : memref<4096x512xf32, #tpu.memory_space<vmem>>, vector<4096x512xf32>
    %get3A_2 = arith.constant 0 : index
    %get3A_3 = arith.constant 0 : index
    %get3A_4 = vector.load %arg2[%get3A_2, %get3A_3] : memref<4096x256xi32, #tpu.memory_space<vmem>>, vector<4096x256xi32>
    %shift_left3A = arith.constant 16 : i32
    %shift_left3A_5 = vector.broadcast %shift_left3A : i32 to vector<4096x256xi32>
    %shift_left3A_6 = arith.shli %get3A_4, %shift_left3A_5 : vector<4096x256xi32>
    %bitcast_convert_type3A = tpu.bitcast %shift_left3A_6 : vector<4096x256xi32> -> vector<4096x256xf32>
    %and3A = arith.constant -65536 : i32
    %and3A_7 = vector.broadcast %and3A : i32 to vector<4096x256xi32>
    %and3A_8 = arith.andi %get3A_4, %and3A_7 : vector<4096x256xi32>
    %bitcast_convert_type3A_9 = tpu.bitcast %and3A_8 : vector<4096x256xi32> -> vector<4096x256xf32>
    %mul3A = arith.mulf %get3A_1, %get3A_1 : vector<4096x512xf32>
    %reduce_sum3A = arith.constant dense<0.000000e+00> : vector<4096xf32>
    %reduce_sum3A_10 = vector.multi_reduction <add>, %mul3A, %reduce_sum3A [1] : vector<4096x512xf32> to vector<4096xf32>
    %broadcast_in_dim3A = vector.shape_cast %reduce_sum3A_10 : vector<4096xf32> to vector<4096x1xf32>
    %sqrt3A = math.sqrt %broadcast_in_dim3A : vector<4096x1xf32>
    %max3A = arith.constant 9.99999996E-13 : f32
    %max3A_11 = vector.broadcast %max3A : f32 to vector<4096x1xf32>
    %max3A_12 = arith.maximumf %sqrt3A, %max3A_11 : vector<4096x1xf32>
    %slice3A = vector.extract_strided_slice %get3A_1 {offsets = [0, 0], sizes = [4096, 256], strides = [1, 1]} : vector<4096x512xf32> to vector<4096x256xf32>
    %div3A = vector.broadcast %max3A_12 : vector<4096x1xf32> to vector<4096x256xf32>
    %div3A_13 = arith.divf %slice3A, %div3A : vector<4096x256xf32>
    %sub3A = arith.subf %div3A_13, %bitcast_convert_type3A : vector<4096x256xf32>
    %slice3A_14 = vector.extract_strided_slice %get3A_1 {offsets = [0, 256], sizes = [4096, 256], strides = [1, 1]} : vector<4096x512xf32> to vector<4096x256xf32>
    %div3A_15 = vector.broadcast %max3A_12 : vector<4096x1xf32> to vector<4096x256xf32>
    %div3A_16 = arith.divf %slice3A_14, %div3A_15 : vector<4096x256xf32>
    %sub3A_17 = arith.subf %div3A_16, %bitcast_convert_type3A_9 : vector<4096x256xf32>
    %mul3A_18 = arith.mulf %sub3A, %sub3A : vector<4096x256xf32>
    %reduce_sum3A_19 = arith.constant dense<0.000000e+00> : vector<4096xf32>
    %reduce_sum3A_20 = vector.multi_reduction <add>, %mul3A_18, %reduce_sum3A_19 [1] : vector<4096x256xf32> to vector<4096xf32>
    %broadcast_in_dim3A_21 = vector.shape_cast %reduce_sum3A_20 : vector<4096xf32> to vector<4096x1xf32>
    %mul3A_22 = arith.mulf %sub3A_17, %sub3A_17 : vector<4096x256xf32>
    %reduce_sum3A_23 = arith.constant dense<0.000000e+00> : vector<4096xf32>
    %reduce_sum3A_24 = vector.multi_reduction <add>, %mul3A_22, %reduce_sum3A_23 [1] : vector<4096x256xf32> to vector<4096xf32>
    %broadcast_in_dim3A_25 = vector.shape_cast %reduce_sum3A_24 : vector<4096xf32> to vector<4096x1xf32>
    %add3A = arith.addf %broadcast_in_dim3A_21, %broadcast_in_dim3A_25 : vector<4096x1xf32>
    %sqrt3A_26 = math.sqrt %add3A : vector<4096x1xf32>
    %reduce_sum3A_27 = vector.shape_cast %sqrt3A_26 : vector<4096x1xf32> to vector<1x4096x1xf32>
    %reduce_sum3A_28 = arith.constant dense<0.000000e+00> : vector<1xf32>
    %reduce_sum3A_29 = vector.multi_reduction <add>, %reduce_sum3A_27, %reduce_sum3A_28 [1, 2] : vector<1x4096x1xf32> to vector<1xf32>
    %reduce_sum3A_30 = vector.shape_cast %reduce_sum3A_29 : vector<1xf32> to vector<1x1x1xf32>
    %reduce_sum3A_31 = vector.extract %reduce_sum3A_30[0, 0, 0] : f32 from vector<1x1x1xf32>
    %eq3A = arith.constant 0 : i32
    %eq3A_32 = arith.cmpi eq, %arg0, %eq3A : i32
    %convert_element_type3A = arith.extui %eq3A_32 : i1 to i32
    %cond3A = arith.constant 0 : i32
    %cond3A_33 = arith.cmpi ne, %convert_element_type3A, %cond3A : i32
    scf.if %cond3A_33 {
      %swap3A_40 = arith.constant 0.000000e+00 : f32
      %swap3A_41 = arith.constant 0 : index
      %swap3A_42 = arith.constant 0 : index
      %swap3A_43 = memref.load %arg3[%swap3A_41, %swap3A_42] : memref<1x1xf32, #tpu.memory_space<smem>>
      memref.store %swap3A_40, %arg3[%swap3A_41, %swap3A_42] : memref<1x1xf32, #tpu.memory_space<smem>>
    } else {
    }
    %get3A_34 = arith.constant 0 : index
    %get3A_35 = arith.constant 0 : index
    %get3A_36 = memref.load %arg3[%get3A_34, %get3A_35] : memref<1x1xf32, #tpu.memory_space<smem>>
    %add3A_37 = arith.addf %get3A_36, %reduce_sum3A_31 : f32
    %swap3A = arith.constant 0 : index
    %swap3A_38 = arith.constant 0 : index
    %swap3A_39 = memref.load %arg3[%swap3A, %swap3A_38] : memref<1x1xf32, #tpu.memory_space<smem>>
    memref.store %add3A_37, %arg3[%swap3A, %swap3A_38] : memref<1x1xf32, #tpu.memory_space<smem>>
    return
  }
  func.func @transform_0(%arg0: i32) -> (i32, i32) {
    %c0_i32 = arith.constant 0 : i32
    %c0_i32_0 = arith.constant 0 : i32
    return %arg0, %c0_i32 : i32, i32
  }
  func.func @transform_1(%arg0: i32) -> (i32, i32) {
    %c0_i32 = arith.constant 0 : i32
    %c0_i32_0 = arith.constant 0 : i32
    return %arg0, %c0_i32 : i32, i32
  }
  func.func @transform_2(%arg0: i32) -> (i32, i32) {
    %c0_i32 = arith.constant 0 : i32
    %c0_i32_0 = arith.constant 0 : i32
    %c0_i32_1 = arith.constant 0 : i32
    return %c0_i32, %c0_i32_0 : i32, i32
  }
}

</mosaic_0001>

<sc_bundles>
// kernel: kernel.4.cloned.1.call-start
scs
__scs_entry_jumppad:
0x0: {  	(pc) =	sbr.rel $0x88, $3  }
0x1: {  	(tag) =	ssettag $0x0;
	lr =	simm.s32 $0x1  }
0x2: {  	[smem:$0x3F9E] =	sst lr;
	_ =	strace $0xD0000000  }
0x3: {  	_ = 	snop  }
0x4: {  	_ = 	snop  }
0x5: {  	_ = 	snop  }
0x6: {  	_ = 	snop  }
0x7: {  	_ = 	snop  }
__scs_overlays_trampoline_lowered:
0x8: {  	[smem:$0x3FAD] =	sst s0  }
0x9: {  	[smem:$0x3FAE] =	sst s1  }
0xa: {  	[smem:$0x3FAF] =	sst s2  }
0xb: {  	[smem:$0x3FB0] =	sst s3  }
0xc: {  	[smem:$0x3FB1] =	sst s4  }
0xd: {  	[smem:$0x3FB2] =	sst s5  }
0xe: {  	[smem:$0x3FB3] =	sst s6  }
0xf: {  	[smem:$0x3FB4] =	sst s7  }
0x10: {  	[smem:$0x3FB5] =	sst s8  }
0x11: {  	[smem:$0x3FB6] =	sst s9;
	s0 =	simm.s32 @!p0 $0x0  }
0x12: {  	s1 =	sld [smem:$0x3F9C];
	s0 =	simm.s32 @p0 $0x1  }
0x13: {  	[smem:$0x3FB7] =	sst s0;
	s0 =	simm.s32 @!p1 $0x0  }
0x14: {  	s2 =	sld [smem:$0x3F9B];
	s0 =	simm.s32 @p1 $0x1  }
0x15: {  	[smem:$0x3FB8] =	sst s0;
	s0 =	simm.s32 @!p2 $0x0  }
0x16: {  	s3 =	sld [smem:$0x3FDB];
	s0 =	simm.s32 @p2 $0x1  }
0x17: {  	s4 =	simm.s32 $0x1BF5;
	[smem:$0x3FBA] =	sst s0  }
0x18: {  	s0 =	sld [smem:$0x3F9D];
	_ =	swait.ge [sflag:s4], $0x0  }
0x19: {  	s7 =	sld [smem:$0x3F9E]  }
0x1a: {  	s8 =	sadd.s32 $0xFFFFE003, lr  }
0x1b: {  	s9 =	sadd.s32 $0xFFFFFEF7, lr;
	s5 =	simm.s32 $0xFFFFFFFF;
	p2 =	slt.u32 s8, $0xFFFFF086  }
0x1c: {  	p1 =	slt.u32 s9, $0xF7A;
	s5 =	simm.s32 @!p2 $0x0  }
0x1d: {  	s5 =	simm.s32 @p1 $0x1;
	p0 =	seq.s32 s7, s2  }
0x1e: {  	s7 =	smul.u32 @!p0 $0xF7A, s2;
	p2 =	seq.s32 @!p0 s5, $0x0  }
0x1f: {  	s9 =	smul.u32 $0xF7A, s1;
	s8 =	simm.s32 @!p0 $0x1BF5;
	p2 =	por !p2, p0  }
0x20: {  	[sflag:s8] =	ssyncset.s32 @!p0 $0xFFFFF086;
	s6 =	sadd.s32 @!p0 s3, s7;
	s7 =	simm.s32 @!p0 $0x108  }
0x21: {  	s3 =	sadd.s32 s3, s9;
	s6 =	sadd.s32 @!p0 $0x88, s6;
	s7 =	simm.s32 @p2 $0x1082  }
0x22: {  	[simem:s7], [sflag:s8] =	dma.local @!p0 [hbm:s6], $0xF7A  }
0x23: {  	s9 =	sor.u32 $0xD0000000, s2;
	s6 =	simm.s32 $0x108;
	_ =	swait.ge @!p0 [sflag:s8], $0x0  }
0x24: {  	s3 =	sadd.s32 $0x88, s3;
	s6 =	simm.s32 @!p1 $0x1082;
	[sflag:s4] =	ssyncset.s32 $0xFFFFF086  }
0x25: {  	[simem:s6], [sflag:s4] =	dma.local [hbm:s3], $0xF7A  }
0x26: {  	[smem:$0x3F9E] =	sst s1;
	(tag) =	ssettag s2;
	_ =	strace s9  }
0x27: {  	s1 =	sld [smem:$0x3FAE]  }
0x28: {  	s2 =	sld [smem:$0x3FAF]  }
0x29: {  	s4 =	sld [smem:$0x3FB1]  }
0x2a: {  	p0 =	seq.s32 s5, $0x0;
	s5 =	sld [smem:$0x3FB2]  }
0x2b: {  	s6 =	sld [smem:$0x3FB3]  }
0x2c: {  	s7 =	sld [smem:$0x3FB4]  }
0x2d: {  	s3 =	simm.s32 $0x108;
	s8 =	sld [smem:$0x3FB5]  }
0x2e: {  	s3 =	simm.s32 @!p0 $0x1082;
	s9 =	sld [smem:$0x3FB6]  }
0x2f: {  	lr =	sadd.s32 s0, s3;
	s0 =	sld [smem:$0x3FAD]  }
0x30: {  	s3 =	sld [smem:$0x3FB0]  }
0x31: {  	[smem:$0x3FB9] =	sst s10  }
0x32: {  	s10 =	sld [smem:$0x3FB7];
	_ =	sdelay $0x3  }
0x33: {  	p0 =	seq.s32 s10, $0x1;
	s10 =	sld [smem:$0x3FB9];
	_ =	sdelay $0x3  }
0x34: {  	[smem:$0x3FB9] =	sst s10  }
0x35: {  	s10 =	sld [smem:$0x3FB8];
	_ =	sdelay $0x3  }
0x36: {  	p1 =	seq.s32 s10, $0x1;
	s10 =	sld [smem:$0x3FB9];
	_ =	sdelay $0x3  }
0x37: {  	[smem:$0x3FB9] =	sst s10  }
0x38: {  	s10 =	sld [smem:$0x3FBA]  }
0x39: {  	_ = 	snop;
	(pc) =	sbr.ind lr, $3  }
0x3a: {  	_ = 	snop  }
0x3b: {  	_ = 	snop  }
0x3c: {  	p2 =	seq.s32 s10, $0x1;
	s10 =	sld [smem:$0x3FB9]  }
0x3d: {  	_ =	shalt  }
0x3e: {  	_ =	shalt  }
0x3f: {  	_ =	shalt  }
0x40: {  	_ =	shalt  }
0x41: {  	_ =	shalt  }
0x42: {  	_ =	shalt  }
0x43: {  	_ =	shalt  }
0x44: {  	_ =	shalt  }
0x45: {  	_ =	shalt  }
0x46: {  	_ =	shalt  }
0x47: {  	_ =	shalt  }
0x48: {  	_ =	shalt  }
0x49: {  	_ =	shalt  }
0x4a: {  	_ =	shalt  }
0x4b: {  	_ =	shalt  }
0x4c: {  	_ =	shalt  }
0x4d: {  	_ =	shalt  }
0x4e: {  	_ =	shalt  }
0x4f: {  	_ =	shalt  }
0x50: {  	_ =	shalt  }
0x51: {  	_ =	shalt  }
0x52: {  	_ =	shalt  }
0x53: {  	_ =	shalt  }
0x54: {  	_ =	shalt  }
0x55: {  	_ =	shalt  }
0x56: {  	_ =	shalt  }
0x57: {  	_ =	shalt  }
0x58: {  	_ =	shalt  }
0x59: {  	_ =	shalt  }
0x5a: {  	_ =	shalt  }
0x5b: {  	_ =	shalt  }
0x5c: {  	_ =	shalt  }
0x5d: {  	_ =	shalt  }
0x5e: {  	_ =	shalt  }
0x5f: {  	_ =	shalt  }
0x60: {  	_ =	shalt  }
0x61: {  	_ =	shalt  }
0x62: {  	_ =	shalt  }
0x63: {  	_ =	shalt  }
0x64: {  	_ =	shalt  }
0x65: {  	_ =	shalt  }
0x66: {  	_ =	shalt  }
0x67: {  	_ =	shalt  }
0x68: {  	_ =	shalt  }
0x69: {  	_ =	shalt  }
0x6a: {  	_ =	shalt  }
0x6b: {  	_ =	shalt  }
0x6c: {  	_ =	shalt  }
0x6d: {  	_ =	shalt  }
0x6e: {  	_ =	shalt  }
0x6f: {  	_ =	shalt  }
0x70: {  	_ =	shalt  }
0x71: {  	_ =	shalt  }
0x72: {  	_ =	shalt  }
0x73: {  	_ =	shalt  }
0x74: {  	_ =	shalt  }
0x75: {  	_ =	shalt  }
0x76: {  	_ =	shalt  }
0x77: {  	_ =	shalt  }
0x78: {  	_ =	shalt  }
0x79: {  	_ =	shalt  }
0x7a: {  	_ =	shalt  }
0x7b: {  	_ =	shalt  }
0x7c: {  	_ =	shalt  }
0x7d: {  	_ =	shalt  }
0x7e: {  	_ =	shalt  }
0x7f: {  	_ =	shalt  }
0x80: {  	_ =	shalt  }
0x81: {  	_ =	shalt  }
0x82: {  	_ =	shalt  }
0x83: {  	_ =	shalt  }
0x84: {  	_ =	shalt  }
0x85: {  	_ =	shalt  }
0x86: {  	_ =	shalt  }
0x87: {  	_ =	shalt  }
.Lfunc_end0:
.L_simem_size_0:
called_computation_lowered:
.L_overlay_start_0:
0x88: {  	s2 =	sld [smem:$0x3FD9]  }
0x89: {  	s3 =	sld [smem:$0x3FFE];
	_ =	sdelay $0x1  }
0x8a: {  	s1 =	srdreg.scid  }
0x8b: {  	s0 =	sand.u32 $0x1, s1  }
0x8c: {  	s17 =	sshll.u32 s0, $0xA;
	s2 =	sadd.s32 s3, s2  }
0x8d: {  	s2 =	sadd.s32 s2, s17  }
0x8e: {  	[smem:$0x3FC5] =	sst s2  }
0x8f: {  	_ = 	snop  }
0x90: {  	s2 =	sld [smem:$0x3FC8];
	(tm) =	ssettm $0x1  }
0x91: {  	s18 =	sld [smem:$0x3FFB];
	_ =	sdelay $0x3  }
0x92: {  	_ =	strace s18  }
0x93: {  	s3 =	sld [smem:$0x3FFC];
	_ =	sdelay $0x3  }
0x94: {  	_ =	strace s3  }
0x95: {  	s3 =	sld [smem:$0x3FFD];
	_ =	sdelay $0x3  }
0x96: {  	_ =	strace s3  }
0x97: {  	_ =	strace $0x8FFFFFFF  }
0x98: {  	s19 =	sld [smem:$0x3FDB];
	_ =	sdelay $0x1  }
0x99: {  	s4 =	simm.s32 $_scs_section_size  }
0x9a: {  	s5 =	simm.s32 $_size__tile_overlayer_lowered;
	s6 =	simm.s32 $_tile_overlayer_lowered  }
0x9b: {  	s22 =	simm.s32 $0x1BFF;
	s21 =	sshll.u32 s6, $0x1;
	s3 =	sadd.s32 s4, s19  }
0x9c: {  	s7 =	simm.s32 $0x0;
	s20 =	sshll.u32 s5, $0x1;
	s5 =	sadd.s32 s21, s3  }
0x9d: {  	[timem:s7], [sflag:s22] =	dma.local [hbm:s5], s20  }
0x9e: {  	_ =	swait.ge [sflag:s22], s20  }
0x9f: {  	s4 =	ssub.s32 $0x0, s20;
	[sflag:s22] =	ssyncset.done $0x0  }
0xa0: {  	[sflag:s22] =	ssyncadd.s32 s4;
	_ =	sdelay $0x1  }
0xa1: {  	s23 =	simm.s32 $0x1B8B  }
0xa2: {  	_ =	swait.ge [sflag:s23], $0x1  }
0xa3: {  	[sflag:s23] =	ssyncset.done $0x0  }
0xa4: {  	s25 =	simm.s32 $0x1B8E;
	s24 =	sld [smem:$0x3FFE];
	[sflag:s23] =	ssyncadd.s32 $0xFFFFFFFF  }
0xa5: {  	s26 =	simm.s32 $execute0_lowered;
	[smem:$0x3FD2] =	sst s25  }
0xa6: {  	s5 =	sshll.u32 s26, $0x1;
	_ =	strace $0x80000046;
	[dreg:$0x1] =	wrdreg $0xFFFFFFFF  }
0xa7: {  	s28 =	simm.s32 $_size_execute0_lowered;
	s3 =	sadd.s32 s3, s5;
	[dreg:$0x0] =	wrdreg $0x0  }
0xa8: {  	s5 =	sshll.u32 s28, $0x1;
	[dreg:$0x2] =	wrdreg s3  }
0xa9: {  	[dreg:$0x3] =	wrdreg s5  }
0xaa: {  	[dreg:$0x4] =	wrdreg $0xC0  }
0xab: {  	_ =	task [dreg:s7], $0x5FFFF  }
0xac: {  	[dreg:$0x1] =	wrdreg $0xFFFFFFFF  }
0xad: {  	[dreg:$0x0] =	wrdreg $0x60  }
0xae: {  	[dreg:$0x2] =	wrdreg s24  }
0xaf: {  	[dreg:$0x3] =	wrdreg s2  }
0xb0: {  	[dreg:$0x4] =	wrdreg $0x10C800  }
0xb1: {  	[dreg:$0x5] =	wrdreg $0x9  }
0xb2: {  	_ =	task.clear_ibuf [dreg:s7], $0x6FFFF;
	_ =	strace $0x90000046  }
0xb3: {  	s29 =	simm.s32 $0x9;
	_ =	strace $0x80000048  }
0xb4: {  	_ =	swait.ge [sflag:s29], $0x1  }
0xb5: {  	[sflag:s29] =	ssyncadd.s32 $0xFFFFFFFF  }
0xb6: {  	_ =	strace $0x90000048  }
0xb7: {  	_ =	sfence  }
0xb8: {  	s30 =	sld [smem:$0x0];
	_ =	sdelay $0x2  }
0xb9: {  	s31 =	sshll.u32 s1, $0xD;
	s1 =	sshrl.u32 s1, $0x2  }
0xba: {  	s3 =	sand.u32 $0x4000, s31;
	s1 =	sadd.s32 s1, s30  }
0xbb: {  	s0 =	sor.u32 s3, s0;
	s1 =	sshll.u32 s1, $0x11  }
0xbc: {  	s0 =	sor.u32 s1, s0  }
0xbd: {  	s0 =	sadd.s32 $0x8F2B, s0  }
0xbe: {  	[sflag:s0] =	ssyncadd.remote.s32 $0x1  }
0xbf: {  	_ =	sfence.sel $0xFFFF  }
0xc0: {  	[dreg:$0x0] =	wrdreg $0xFFFFFFFF;
	(pc) =	sbr.abs _section_cstart, $3  }
0xc1: {  	[dreg:$0x1] =	wrdreg $0xFFFFFFFF  }
0xc2: {  	_ =	task.clear_ibuf [dreg:s7], $0x2FFFF;
	_ =	strace $0x9FFFFFFF  }
0xc3: {  	(tm) =	ssettm $0x7FFFFFFF  }
tec
execute0_lowered:
.L_overlay_start_1:
0x0: {  	(tag) =	ssettag $0x1  }
0x1: {  	s0 =	rddreg [dreg:$0x0]  }
0x2: {  	s1 =	srdreg.scid;
	s3 =	rddreg [dreg:$0x1]  }
0x3: {  	s6 =	stileid.u32;
	s2 =	simm.s32 $0x0;
	s28 =	simm.s32 $0x400  }
0x4: {  	s29 =	simm.s32 $0xA80;
	s30 =	simm.s32 $0x1480;
	s31 =	simm.s32 $0x1C80  }
0x5: {  	s10 =	simm.s32 $0x3C80;
	s11 =	simm.s32 $0x4480;
	s5 =	sand.u32 $0x1, s1  }
0x6: {  	s1 =	rddreg [dreg:$0x2];
	s7 =	sshll.u32 s6, $0x9;
	s4 =	sshll.u32 s5, $0xD  }
0x7: {  	s12 =	simm.s32 $0x4C80;
	[smem:$0x7FF] =	sst s2;
	s4 =	sor.u32 s7, s4  }
0x8: {  	_ =	strace $0x80000047;
	[dreg:$0x11] =	wrdreg s28;
	s7 =	sshrl.u32 s4, $0x3  }
0x9: {  	s8 =	sshll.u32 s6, $0x7;
	[dreg:$0x12] =	wrdreg s29;
	s9 =	sadd.s32 s3, s7  }
0xa: {  	s13 =	simm.s32 $0x5480;
	s3 =	sadd.s32 s3, s8;
	[dreg:$0x4] =	wrdreg s9  }
0xb: {  	s14 =	simm.s32 $0x5C80;
	s8 =	sadd.s32 $0x10, s3;
	[dreg:$0x13] =	wrdreg s3  }
0xc: {  	p0 =	sne.s32 s6, $0x0;
	s15 =	sadd.s32 $0x20, s3;
	[dreg:$0x5] =	wrdreg s8  }
0xd: {  	s6 =	simm.s32 $0x3;
	s16 =	sadd.s32 $0x30, s3;
	[dreg:$0x6] =	wrdreg s15  }
0xe: {  	s5 =	ssub.s32 $0x2, s5;
	s17 =	sadd.s32 $0x40, s3;
	[dreg:$0x7] =	wrdreg s16  }
0xf: {  	s24 =	sshrl.u32 s5, $0x1;
	s18 =	sadd.s32 $0x50, s3;
	[dreg:$0x8] =	wrdreg s17  }
0x10: {  	s4 =	sshll.u32 s4, $0x5;
	s19 =	sadd.s32 $0x60, s3;
	[dreg:$0x9] =	wrdreg s18  }
0x11: {  	s7 =	sadd.s32 s7, s0;
	s20 =	sadd.s32 $0x70, s3;
	[dreg:$0xa] =	wrdreg s19  }
0x12: {  	s21 =	sadd.s32 s4, s0;
	s7 =	sadd.s32 $0x8400, s7;
	[dreg:$0xb] =	wrdreg s20  }
0x13: {  	s5 =	ssub.s32 s5, s24;
	s22 =	sadd.s32 $0x8C00, s21;
	[dreg:$0xc] =	wrdreg s7  }
0x14: {  	s24 =	simm.s32 $0x680;
	s23 =	sadd.s32 $0x9C00, s21;
	[dreg:$0xd] =	wrdreg s22  }
0x15: {  	s4 =	sadd.s32 $0x600, s0;
	s25 =	sadd.s32 $0xAC00, s21;
	[dreg:$0xe] =	wrdreg s23  }
0x16: {  	s5 =	smax.u32 s5, $0x1;
	s26 =	sadd.s32 $0xBC00, s21;
	[dreg:$0xf] =	wrdreg s25  }
0x17: {  	s9 =	simm.s32 $0x1;
	s21 =	simm.s32 $0x280;
	[dreg:$0x10] =	wrdreg s26  }
0x18: {  	s15 =	simm.s32 $0x80;
	s22 =	simm.s32 $0x600;
	s26 =	simm.s32 $0x2  }
0x19: {  	v0 =	vimm.f32 $1.000000000e+00;
	v4 =	vlaneseq.u32;
	s23 =	simm.s32 $0xC80;
	s16 =	simm.s32 $0x6480;
	s17 =	simm.s32 $0x6C80  }
0x1a: {  	v1 =	vimm.f32 $0.0e+00;
	vm0 =	vmmov $0xffff;
	v3 =	vshrl.u32 v4, $0x3;
	s18 =	simm.s32 $0x7480;
	s19 =	simm.s32 $0x7C80;
	s20 =	simm.s32 $0x8480  }
0x1b: {  	v2 =	vand.u32 $0x7, v4;
	v4 =	vor.u32 $0x8, v4;
	v3 =	vmul.u32 $0x8, v3;
	s25 =	simm.s32 $0x180;
	s7 =	simm.s32 $0x200;
	s8 =	simm.s32 $0x380  }
.LBB2_1:
0x1c: {  	[tilespmem:$0x600] =	vst v0  }
0x1d: {  	[tilespmem:$0x610] =	vst v0  }
0x1e: {  	[tilespmem:$0x620] =	vst v0  }
0x1f: {  	[tilespmem:$0x630] =	vst v0  }
0x20: {  	[tilespmem:$0x640] =	vst v0  }
0x21: {  	[tilespmem:$0x650] =	vst v0  }
0x22: {  	[tilespmem:$0x660] =	vst v0  }
0x23: {  	[tilespmem:$0x670] =	vst v0  }
0x24: {  	[tilespmem:$0x680] =	vst v1  }
0x25: {  	[tilespmem:$0x690] =	vst v1  }
0x26: {  	[tilespmem:$0x6A0] =	vst v1  }
0x27: {  	[tilespmem:$0x6B0] =	vst v1  }
0x28: {  	[tilespmem:$0x6C0] =	vst v1  }
0x29: {  	[tilespmem:$0x6D0] =	vst v1  }
0x2a: {  	[tilespmem:$0x6E0] =	vst v1  }
0x2b: {  	[tilespmem:$0x6F0] =	vst v1  }
0x2c: {  	[tilespmem:$0x700] =	vst v1  }
0x2d: {  	[tilespmem:$0x710] =	vst v1  }
0x2e: {  	[tilespmem:$0x720] =	vst v1  }
0x2f: {  	[tilespmem:$0x730] =	vst v1  }
0x30: {  	[tilespmem:$0x740] =	vst v1  }
0x31: {  	[tilespmem:$0x750] =	vst v1  }
0x32: {  	[tilespmem:$0x760] =	vst v1  }
0x33: {  	[tilespmem:$0x770] =	vst v1  }
0x34: {  	[tilespmem:$0x780] =	vst v1  }
0x35: {  	[tilespmem:$0x790] =	vst v1  }
0x36: {  	[tilespmem:$0x7A0] =	vst v1  }
0x37: {  	[tilespmem:$0x7B0] =	vst v1  }
0x38: {  	[tilespmem:$0x7C0] =	vst v1  }
0x39: {  	[tilespmem:$0x7D0] =	vst v1  }
0x3a: {  	[tilespmem:$0x7E0] =	vst v1  }
0x3b: {  	[tilespmem:$0x7F0] =	vst v1  }
0x3c: {  	[tilespmem:$0x800] =	vst v1  }
0x3d: {  	[tilespmem:$0x810] =	vst v1  }
0x3e: {  	[tilespmem:$0x820] =	vst v1  }
0x3f: {  	[tilespmem:$0x830] =	vst v1  }
0x40: {  	[tilespmem:$0x840] =	vst v1  }
0x41: {  	[tilespmem:$0x850] =	vst v1  }
0x42: {  	[tilespmem:$0x860] =	vst v1  }
0x43: {  	[tilespmem:$0x870] =	vst v1  }
0x44: {  	[tilespmem:$0x880] =	vst v1  }
0x45: {  	[tilespmem:$0x890] =	vst v1  }
0x46: {  	[tilespmem:$0x8A0] =	vst v1  }
0x47: {  	[tilespmem:$0x8B0] =	vst v1  }
0x48: {  	[tilespmem:$0x8C0] =	vst v1  }
0x49: {  	[tilespmem:$0x8D0] =	vst v1  }
0x4a: {  	[tilespmem:$0x8E0] =	vst v1  }
0x4b: {  	[tilespmem:$0x8F0] =	vst v1  }
0x4c: {  	[tilespmem:$0x900] =	vst v1  }
0x4d: {  	[tilespmem:$0x910] =	vst v1  }
0x4e: {  	[tilespmem:$0x920] =	vst v1  }
0x4f: {  	[tilespmem:$0x930] =	vst v1  }
0x50: {  	[tilespmem:$0x940] =	vst v1  }
0x51: {  	[tilespmem:$0x950] =	vst v1  }
0x52: {  	[tilespmem:$0x960] =	vst v1  }
0x53: {  	[tilespmem:$0x970] =	vst v1  }
0x54: {  	[tilespmem:$0x980] =	vst v1  }
0x55: {  	[tilespmem:$0x990] =	vst v1  }
0x56: {  	[tilespmem:$0x9A0] =	vst v1  }
0x57: {  	[tilespmem:$0x9B0] =	vst v1  }
0x58: {  	[tilespmem:$0x9C0] =	vst v1  }
0x59: {  	[tilespmem:$0x9D0] =	vst v1  }
0x5a: {  	[tilespmem:$0x9E0] =	vst v1  }
0x5b: {  	[tilespmem:$0x9F0] =	vst v1  }
0x5c: {  	[tilespmem:$0xA00] =	vst v1  }
0x5d: {  	[tilespmem:$0xA10] =	vst v1  }
0x5e: {  	[tilespmem:$0xA20] =	vst v1  }
0x5f: {  	[tilespmem:$0xA30] =	vst v1  }
0x60: {  	[tilespmem:$0xA40] =	vst v1  }
0x61: {  	[tilespmem:$0xA50] =	vst v1  }
0x62: {  	s28 =	rddreg [dreg:$0x4];
	[tilespmem:$0xA60] =	vst v1  }
0x63: {  	s29 =	rddreg [dreg:$0x11];
	[tilespmem:$0xA70] =	vst v1  }
0x64: {  	[tilespmem:s29], [sflag:$0x3] =	stream.linear.gather [hbm4b:s28+s2], $0x200, $0x38;
	[tilespmem:$0x10CC0] =	vst v63  }
0x65: {  	_ =	swait.ge [sflag:s6], $0x200  }
0x66: {  	[sflag:s6] =	ssyncset.done $0x0  }
0x67: {  	[sflag:s6] =	ssyncadd.s32 $0xFFFFFE00  }
0x68: {  	v5 =	vld [tilespmem:$0x400];
	_ =	sdelay $0x4  }
0x69: {  	v6 =	vshll.u32 v5, $0x1  }
0x6a: {  	v5 =	vand.u32 $0x7, v5;
	v6 =	vand.u32 $0xFFFFFFF0, v6  }
0x6b: {  	v5 =	vor.u32 v5, v6  }
0x6c: {  	v6 =	vperm.xlane v5, v2;
	_ =	sdelay $0x1  }
0x6d: {  	v5 =	vperm.xlane v5, v4;
	v6 =	vadd.s32 v3, v6;
	_ =	sdelay $0x1  }
0x6e: {  	v5 =	vadd.s32 v3, v5;
	_ =	sdelay $0x2  }
0x6f: {  	[tilespmem:s23], [sflag:$0x1] =	stream.indirect_vreg.gather [hbm4b:s4+s2], $0x80, v6, vm0, $0xb8;
	[tilespmem:$0x10CC0] =	vst v63  }
0x70: {  	_ = 	snop  }
0x71: {  	[tilespmem:s30], [sflag:$0x1] =	stream.indirect_vreg.gather [hbm4b:s4+s2], $0x80, v5, vm0, $0xb8;
	[tilespmem:$0x10CC0] =	vst v63  }
0x72: {  	v5 =	vld [tilespmem:$0x410];
	_ =	sdelay $0x4  }
0x73: {  	v6 =	vshll.u32 v5, $0x1  }
0x74: {  	v5 =	vand.u32 $0x7, v5;
	v6 =	vand.u32 $0xFFFFFFF0, v6  }
0x75: {  	v5 =	vor.u32 v5, v6  }
0x76: {  	v6 =	vperm.xlane v5, v2;
	_ =	sdelay $0x1  }
0x77: {  	v5 =	vperm.xlane v5, v4;
	v6 =	vadd.s32 v3, v6;
	_ =	sdelay $0x1  }
0x78: {  	v5 =	vadd.s32 v3, v5;
	_ =	sdelay $0x2  }
0x79: {  	[tilespmem:s31], [sflag:$0x1] =	stream.indirect_vreg.gather [hbm4b:s4+s2], $0x80, v6, vm0, $0xb8;
	[tilespmem:$0x10CC0] =	vst v63  }
0x7a: {  	s0 =	simm.s32 $0x2480  }
0x7b: {  	[tilespmem:s0], [sflag:$0x1] =	stream.indirect_vreg.gather [hbm4b:s4+s2], $0x80, v5, vm0, $0xb8;
	[tilespmem:$0x10CC0] =	vst v63  }
0x7c: {  	v5 =	vld [tilespmem:$0x420];
	_ =	sdelay $0x4  }
0x7d: {  	v6 =	vshll.u32 v5, $0x1  }
0x7e: {  	v5 =	vand.u32 $0x7, v5;
	v6 =	vand.u32 $0xFFFFFFF0, v6  }
0x7f: {  	v5 =	vor.u32 v5, v6  }
0x80: {  	v6 =	vperm.xlane v5, v2;
	_ =	sdelay $0x1  }
0x81: {  	v5 =	vperm.xlane v5, v4;
	v6 =	vadd.s32 v3, v6;
	_ =	sdelay $0x1  }
0x82: {  	v5 =	vadd.s32 v3, v5;
	_ =	sdelay $0x1  }
0x83: {  	s29 =	simm.s32 $0x2C80  }
0x84: {  	[tilespmem:s29], [sflag:$0x1] =	stream.indirect_vreg.gather [hbm4b:s4+s2], $0x80, v6, vm0, $0xb8;
	[tilespmem:$0x10CC0] =	vst v63  }
0x85: {  	s3 =	simm.s32 $0x3480  }
0x86: {  	[tilespmem:s3], [sflag:$0x1] =	stream.indirect_vreg.gather [hbm4b:s4+s2], $0x80, v5, vm0, $0xb8;
	[tilespmem:$0x10CC0] =	vst v63  }
0x87: {  	v5 =	vld [tilespmem:$0x430];
	_ =	sdelay $0x4  }
0x88: {  	v6 =	vshll.u32 v5, $0x1  }
0x89: {  	v5 =	vand.u32 $0x7, v5;
	v6 =	vand.u32 $0xFFFFFFF0, v6  }
0x8a: {  	v5 =	vor.u32 v5, v6  }
0x8b: {  	v6 =	vperm.xlane v5, v2;
	_ =	sdelay $0x1  }
0x8c: {  	v5 =	vperm.xlane v5, v4;
	v6 =	vadd.s32 v3, v6;
	_ =	sdelay $0x1  }
0x8d: {  	v5 =	vadd.s32 v3, v5;
	_ =	sdelay $0x2  }
0x8e: {  	[tilespmem:s10], [sflag:$0x1] =	stream.indirect_vreg.gather [hbm4b:s4+s2], $0x80, v6, vm0, $0xb8;
	[tilespmem:$0x10CC0] =	vst v63  }
0x8f: {  	_ = 	snop  }
0x90: {  	[tilespmem:s11], [sflag:$0x1] =	stream.indirect_vreg.gather [hbm4b:s4+s2], $0x80, v5, vm0, $0xb8;
	[tilespmem:$0x10CC0] =	vst v63  }
0x91: {  	v5 =	vld [tilespmem:$0x440];
	_ =	sdelay $0x4  }
0x92: {  	v6 =	vshll.u32 v5, $0x1  }
0x93: {  	v5 =	vand.u32 $0x7, v5;
	v6 =	vand.u32 $0xFFFFFFF0, v6  }
0x94: {  	v5 =	vor.u32 v5, v6  }
0x95: {  	v6 =	vperm.xlane v5, v2;
	_ =	sdelay $0x1  }
0x96: {  	v5 =	vperm.xlane v5, v4;
	v6 =	vadd.s32 v3, v6;
	_ =	sdelay $0x1  }
0x97: {  	v5 =	vadd.s32 v3, v5;
	_ =	sdelay $0x2  }
0x98: {  	[tilespmem:s12], [sflag:$0x1] =	stream.indirect_vreg.gather [hbm4b:s4+s2], $0x80, v6, vm0, $0xb8;
	[tilespmem:$0x10CC0] =	vst v63  }
0x99: {  	_ = 	snop  }
0x9a: {  	[tilespmem:s13], [sflag:$0x1] =	stream.indirect_vreg.gather [hbm4b:s4+s2], $0x80, v5, vm0, $0xb8;
	[tilespmem:$0x10CC0] =	vst v63  }
0x9b: {  	v5 =	vld [tilespmem:$0x450];
	_ =	sdelay $0x4  }
0x9c: {  	v6 =	vshll.u32 v5, $0x1  }
0x9d: {  	v5 =	vand.u32 $0x7, v5;
	v6 =	vand.u32 $0xFFFFFFF0, v6  }
0x9e: {  	v5 =	vor.u32 v5, v6  }
0x9f: {  	v6 =	vperm.xlane v5, v2;
	_ =	sdelay $0x1  }
0xa0: {  	v5 =	vperm.xlane v5, v4;
	v6 =	vadd.s32 v3, v6;
	_ =	sdelay $0x1  }
0xa1: {  	v5 =	vadd.s32 v3, v5;
	_ =	sdelay $0x2  }
0xa2: {  	[tilespmem:s14], [sflag:$0x1] =	stream.indirect_vreg.gather [hbm4b:s4+s2], $0x80, v6, vm0, $0xb8;
	[tilespmem:$0x10CC0] =	vst v63  }
0xa3: {  	_ = 	snop  }
0xa4: {  	[tilespmem:s16], [sflag:$0x1] =	stream.indirect_vreg.gather [hbm4b:s4+s2], $0x80, v5, vm0, $0xb8;
	[tilespmem:$0x10CC0] =	vst v63  }
0xa5: {  	v5 =	vld [tilespmem:$0x460];
	_ =	sdelay $0x4  }
0xa6: {  	v6 =	vshll.u32 v5, $0x1  }
0xa7: {  	v5 =	vand.u32 $0x7, v5;
	v6 =	vand.u32 $0xFFFFFFF0, v6  }
0xa8: {  	v5 =	vor.u32 v5, v6  }
0xa9: {  	v6 =	vperm.xlane v5, v2;
	_ =	sdelay $0x1  }
0xaa: {  	v5 =	vperm.xlane v5, v4;
	v6 =	vadd.s32 v3, v6;
	_ =	sdelay $0x1  }
0xab: {  	v5 =	vadd.s32 v3, v5;
	_ =	sdelay $0x2  }
0xac: {  	[tilespmem:s17], [sflag:$0x1] =	stream.indirect_vreg.gather [hbm4b:s4+s2], $0x80, v6, vm0, $0xb8;
	[tilespmem:$0x10CC0] =	vst v63  }
0xad: {  	_ = 	snop  }
0xae: {  	[tilespmem:s18], [sflag:$0x1] =	stream.indirect_vreg.gather [hbm4b:s4+s2], $0x80, v5, vm0, $0xb8;
	[tilespmem:$0x10CC0] =	vst v63  }
0xaf: {  	v5 =	vld [tilespmem:$0x470];
	_ =	sdelay $0x4  }
0xb0: {  	v6 =	vshll.u32 v5, $0x1  }
0xb1: {  	v5 =	vand.u32 $0x7, v5;
	v6 =	vand.u32 $0xFFFFFFF0, v6  }
0xb2: {  	v5 =	vor.u32 v5, v6  }
0xb3: {  	v6 =	vperm.xlane v5, v2;
	_ =	sdelay $0x1  }
0xb4: {  	v5 =	vperm.xlane v5, v4;
	v6 =	vadd.s32 v3, v6;
	_ =	sdelay $0x1  }
0xb5: {  	v5 =	vadd.s32 v3, v5;
	_ =	sdelay $0x2  }
0xb6: {  	[tilespmem:s19], [sflag:$0x1] =	stream.indirect_vreg.gather [hbm4b:s4+s2], $0x80, v6, vm0, $0xb8;
	[tilespmem:$0x10CC0] =	vst v63  }
0xb7: {  	_ = 	snop  }
0xb8: {  	[tilespmem:s20], [sflag:$0x1] =	stream.indirect_vreg.gather [hbm4b:s4+s2], $0x80, v5, vm0, $0xb8;
	[tilespmem:$0x10CC0] =	vst v63  }
0xb9: {  	v5 =	vld [tilespmem:$0x480];
	_ =	sdelay $0x4  }
0xba: {  	v6 =	vshll.u32 v5, $0x1  }
0xbb: {  	v5 =	vand.u32 $0x7, v5;
	v6 =	vand.u32 $0xFFFFFFF0, v6  }
0xbc: {  	v5 =	vor.u32 v5, v6  }
0xbd: {  	v6 =	vperm.xlane v5, v2;
	_ =	sdelay $0x1  }
0xbe: {  	v5 =	vperm.xlane v5, v4;
	v6 =	vadd.s32 v3, v6;
	_ =	sdelay $0x1  }
0xbf: {  	v5 =	vadd.s32 v3, v5;
	_ =	sdelay $0x1  }
0xc0: {  	s0 =	simm.s32 $0x8C80  }
0xc1: {  	[tilespmem:s0], [sflag:$0x2] =	stream.indirect_vreg.gather [hbm4b:s4+s2], $0x80, v6, vm0, $0xb8;
	[tilespmem:$0x10CC0] =	vst v63  }
0xc2: {  	s3 =	simm.s32 $0x9480  }
0xc3: {  	[tilespmem:s3], [sflag:$0x2] =	stream.indirect_vreg.gather [hbm4b:s4+s2], $0x80, v5, vm0, $0xb8;
	[tilespmem:$0x10CC0] =	vst v63  }
0xc4: {  	v5 =	vld [tilespmem:$0x490];
	_ =	sdelay $0x4  }
0xc5: {  	v6 =	vshll.u32 v5, $0x1  }
0xc6: {  	v5 =	vand.u32 $0x7, v5;
	v6 =	vand.u32 $0xFFFFFFF0, v6  }
0xc7: {  	v5 =	vor.u32 v5, v6  }
0xc8: {  	v6 =	vperm.xlane v5, v2;
	_ =	sdelay $0x1  }
0xc9: {  	v5 =	vperm.xlane v5, v4;
	v6 =	vadd.s32 v3, v6;
	_ =	sdelay $0x1  }
0xca: {  	v5 =	vadd.s32 v3, v5;
	_ =	sdelay $0x1  }
0xcb: {  	s28 =	simm.s32 $0x9C80  }
0xcc: {  	[tilespmem:s28], [sflag:$0x2] =	stream.indirect_vreg.gather [hbm4b:s4+s2], $0x80, v6, vm0, $0xb8;
	[tilespmem:$0x10CC0] =	vst v63  }
0xcd: {  	s29 =	simm.s32 $0xA480  }
0xce: {  	[tilespmem:s29], [sflag:$0x2] =	stream.indirect_vreg.gather [hbm4b:s4+s2], $0x80, v5, vm0, $0xb8;
	[tilespmem:$0x10CC0] =	vst v63  }
0xcf: {  	v5 =	vld [tilespmem:$0x4A0];
	_ =	sdelay $0x4  }
0xd0: {  	v6 =	vshll.u32 v5, $0x1  }
0xd1: {  	v5 =	vand.u32 $0x7, v5;
	v6 =	vand.u32 $0xFFFFFFF0, v6  }
0xd2: {  	v5 =	vor.u32 v5, v6  }
0xd3: {  	v6 =	vperm.xlane v5, v2;
	_ =	sdelay $0x1  }
0xd4: {  	v5 =	vperm.xlane v5, v4;
	v6 =	vadd.s32 v3, v6;
	_ =	sdelay $0x1  }
0xd5: {  	v5 =	vadd.s32 v3, v5;
	_ =	sdelay $0x1  }
0xd6: {  	s28 =	simm.s32 $0xAC80  }
0xd7: {  	[tilespmem:s28], [sflag:$0x2] =	stream.indirect_vreg.gather [hbm4b:s4+s2], $0x80, v6, vm0, $0xb8;
	[tilespmem:$0x10CC0] =	vst v63  }
0xd8: {  	s29 =	simm.s32 $0xB480  }
0xd9: {  	[tilespmem:s29], [sflag:$0x2] =	stream.indirect_vreg.gather [hbm4b:s4+s2], $0x80, v5, vm0, $0xb8;
	[tilespmem:$0x10CC0] =	vst v63  }
0xda: {  	v5 =	vld [tilespmem:$0x4B0];
	_ =	sdelay $0x4  }
0xdb: {  	v6 =	vshll.u32 v5, $0x1  }
0xdc: {  	v5 =	vand.u32 $0x7, v5;
	v6 =	vand.u32 $0xFFFFFFF0, v6  }
0xdd: {  	v5 =	vor.u32 v5, v6  }
0xde: {  	v6 =	vperm.xlane v5, v2;
	_ =	sdelay $0x1  }
0xdf: {  	v5 =	vperm.xlane v5, v4;
	v6 =	vadd.s32 v3, v6;
	_ =	sdelay $0x1  }
0xe0: {  	v5 =	vadd.s32 v3, v5;
	_ =	sdelay $0x1  }
0xe1: {  	s28 =	simm.s32 $0xBC80  }
0xe2: {  	[tilespmem:s28], [sflag:$0x2] =	stream.indirect_vreg.gather [hbm4b:s4+s2], $0x80, v6, vm0, $0xb8;
	[tilespmem:$0x10CC0] =	vst v63  }
0xe3: {  	s29 =	simm.s32 $0xC480  }
0xe4: {  	[tilespmem:s29], [sflag:$0x2] =	stream.indirect_vreg.gather [hbm4b:s4+s2], $0x80, v5, vm0, $0xb8;
	[tilespmem:$0x10CC0] =	vst v63  }
0xe5: {  	v5 =	vld [tilespmem:$0x4C0];
	_ =	sdelay $0x4  }
0xe6: {  	v6 =	vshll.u32 v5, $0x1  }
0xe7: {  	v5 =	vand.u32 $0x7, v5;
	v6 =	vand.u32 $0xFFFFFFF0, v6  }
0xe8: {  	v5 =	vor.u32 v5, v6  }
0xe9: {  	v6 =	vperm.xlane v5, v2;
	_ =	sdelay $0x1  }
0xea: {  	v5 =	vperm.xlane v5, v4;
	v6 =	vadd.s32 v3, v6;
	_ =	sdelay $0x1  }
0xeb: {  	v5 =	vadd.s32 v3, v5;
	_ =	sdelay $0x1  }
0xec: {  	s28 =	simm.s32 $0xCC80  }
0xed: {  	[tilespmem:s28], [sflag:$0x2] =	stream.indirect_vreg.gather [hbm4b:s4+s2], $0x80, v6, vm0, $0xb8;
	[tilespmem:$0x10CC0] =	vst v63  }
0xee: {  	s29 =	simm.s32 $0xD480  }
0xef: {  	[tilespmem:s29], [sflag:$0x2] =	stream.indirect_vreg.gather [hbm4b:s4+s2], $0x80, v5, vm0, $0xb8;
	[tilespmem:$0x10CC0] =	vst v63  }
0xf0: {  	v5 =	vld [tilespmem:$0x4D0];
	_ =	sdelay $0x4  }
0xf1: {  	v6 =	vshll.u32 v5, $0x1  }
0xf2: {  	v5 =	vand.u32 $0x7, v5;
	v6 =	vand.u32 $0xFFFFFFF0, v6  }
0xf3: {  	v5 =	vor.u32 v5, v6  }
0xf4: {  	v6 =	vperm.xlane v5, v2;
	_ =	sdelay $0x1  }
0xf5: {  	v5 =	vperm.xlane v5, v4;
	v6 =	vadd.s32 v3, v6;
	_ =	sdelay $0x1  }
0xf6: {  	v5 =	vadd.s32 v3, v5;
	_ =	sdelay $0x1  }
0xf7: {  	s28 =	simm.s32 $0xDC80  }
0xf8: {  	[tilespmem:s28], [sflag:$0x2] =	stream.indirect_vreg.gather [hbm4b:s4+s2], $0x80, v6, vm0, $0xb8;
	[tilespmem:$0x10CC0] =	vst v63  }
0xf9: {  	s29 =	simm.s32 $0xE480  }
0xfa: {  	[tilespmem:s29], [sflag:$0x2] =	stream.indirect_vreg.gather [hbm4b:s4+s2], $0x80, v5, vm0, $0xb8;
	[tilespmem:$0x10CC0] =	vst v63  }
0xfb: {  	v5 =	vld [tilespmem:$0x4E0];
	_ =	sdelay $0x4  }
0xfc: {  	v6 =	vshll.u32 v5, $0x1  }
0xfd: {  	v5 =	vand.u32 $0x7, v5;
	v6 =	vand.u32 $0xFFFFFFF0, v6  }
0xfe: {  	v5 =	vor.u32 v5, v6  }
0xff: {  	v6 =	vperm.xlane v5, v2;
	_ =	sdelay $0x1  }
0x100: {  	v5 =	vperm.xlane v5, v4;
	v6 =	vadd.s32 v3, v6;
	_ =	sdelay $0x1  }
0x101: {  	v5 =	vadd.s32 v3, v5;
	_ =	sdelay $0x1  }
0x102: {  	s28 =	simm.s32 $0xEC80  }
0x103: {  	[tilespmem:s28], [sflag:$0x2] =	stream.indirect_vreg.gather [hbm4b:s4+s2], $0x80, v6, vm0, $0xb8;
	[tilespmem:$0x10CC0] =	vst v63  }
0x104: {  	s29 =	simm.s32 $0xF480  }
0x105: {  	[tilespmem:s29], [sflag:$0x2] =	stream.indirect_vreg.gather [hbm4b:s4+s2], $0x80, v5, vm0, $0xb8;
	[tilespmem:$0x10CC0] =	vst v63  }
0x106: {  	v5 =	vld [tilespmem:$0x4F0];
	_ =	sdelay $0x4  }
0x107: {  	v6 =	vshll.u32 v5, $0x1  }
0x108: {  	v5 =	vand.u32 $0x7, v5;
	v6 =	vand.u32 $0xFFFFFFF0, v6  }
0x109: {  	v5 =	vor.u32 v5, v6  }
0x10a: {  	v6 =	vperm.xlane v5, v2;
	_ =	sdelay $0x1  }
0x10b: {  	v5 =	vperm.xlane v5, v4;
	v6 =	vadd.s32 v3, v6;
	_ =	sdelay $0x1  }
0x10c: {  	v5 =	vadd.s32 v3, v5;
	_ =	sdelay $0x1  }
0x10d: {  	s28 =	simm.s32 $0xFC80  }
0x10e: {  	[tilespmem:s28], [sflag:$0x2] =	stream.indirect_vreg.gather [hbm4b:s4+s2], $0x80, v6, vm0, $0xb8;
	[tilespmem:$0x10CC0] =	vst v63  }
0x10f: {  	s29 =	simm.s32 $0x10480  }
0x110: {  	[tilespmem:s29], [sflag:$0x2] =	stream.indirect_vreg.gather [hbm4b:s4+s2], $0x80, v5, vm0, $0xb8;
	[tilespmem:$0x10CC0] =	vst v63  }
0x111: {  	s28 =	simm.s32 @!p0 $0x680  }
0x112: {  	[spmem:s1] =	stream.linear.scatter @!p0 [tilespmem:s28], [sflag:$0x3], $0x400, $0x38;
	[tilespmem:$0x10CC0] =	vst v63  }
0x113: {  	s28 =	simm.s32 @!p0 $0x3  }
0x114: {  	_ =	swait.ge @!p0 [sflag:s28], $0x400  }
0x115: {  	[sflag:s28] =	ssyncset.done @!p0 $0x0  }
0x116: {  	[sflag:s28] =	ssyncadd.s32 @!p0 $0xFFFFFC00  }
0x117: {  	[bflag:$0x0] =	sbarrier.arrive $0xFFFF  }
0x118: {  	s3 =	rddreg [dreg:$0x13]  }
0x119: {  	[tilespmem:s2], [sflag:$0x3] =	stream.linear.gather [hbm4b:s3+s2], $0x80, $0x38;
	[tilespmem:$0x10CC0] =	vst v63  }
0x11a: {  	_ =	swait.ge [sflag:s6], $0x80  }
0x11b: {  	[sflag:s6] =	ssyncset.done $0x0  }
0x11c: {  	s29 =	rddreg [dreg:$0x5];
	[sflag:s6] =	ssyncadd.s32 $0xFFFFFF80  }
0x11d: {  	[tilespmem:s15], [sflag:$0x3] =	stream.linear.gather [hbm4b:s29+s2], $0x80, $0x38;
	[tilespmem:$0x10CC0] =	vst v63  }
0x11e: {  	_ =	swait.ge [sflag:s6], $0x80  }
0x11f: {  	[sflag:s6] =	ssyncset.done $0x0  }
0x120: {  	s29 =	simm.s32 $0x100;
	s3 =	rddreg [dreg:$0x6];
	[sflag:s6] =	ssyncadd.s32 $0xFFFFFF80  }
0x121: {  	[tilespmem:s29], [sflag:$0x3] =	stream.linear.gather [hbm4b:s3+s2], $0x80, $0x38;
	[tilespmem:$0x10CC0] =	vst v63  }
0x122: {  	_ =	swait.ge [sflag:s6], $0x80  }
0x123: {  	[sflag:s6] =	ssyncset.done $0x0  }
0x124: {  	s3 =	rddreg [dreg:$0x7];
	[sflag:s6] =	ssyncadd.s32 $0xFFFFFF80  }
0x125: {  	[tilespmem:s25], [sflag:$0x3] =	stream.linear.gather [hbm4b:s3+s2], $0x80, $0x38;
	[tilespmem:$0x10CC0] =	vst v63  }
0x126: {  	_ =	swait.ge [sflag:s6], $0x80  }
0x127: {  	[sflag:s6] =	ssyncset.done $0x0  }
0x128: {  	s3 =	rddreg [dreg:$0x8];
	[sflag:s6] =	ssyncadd.s32 $0xFFFFFF80  }
0x129: {  	[tilespmem:s7], [sflag:$0x3] =	stream.linear.gather [hbm4b:s3+s2], $0x80, $0x38;
	[tilespmem:$0x10CC0] =	vst v63  }
0x12a: {  	_ =	swait.ge [sflag:s6], $0x80  }
0x12b: {  	[sflag:s6] =	ssyncset.done $0x0  }
0x12c: {  	s3 =	rddreg [dreg:$0x9];
	[sflag:s6] =	ssyncadd.s32 $0xFFFFFF80  }
0x12d: {  	[tilespmem:s21], [sflag:$0x3] =	stream.linear.gather [hbm4b:s3+s2], $0x80, $0x38;
	[tilespmem:$0x10CC0] =	vst v63  }
0x12e: {  	_ =	swait.ge [sflag:s6], $0x80  }
0x12f: {  	[sflag:s6] =	ssyncset.done $0x0  }
0x130: {  	s3 =	simm.s32 $0x300;
	s28 =	rddreg [dreg:$0xa];
	[sflag:s6] =	ssyncadd.s32 $0xFFFFFF80  }
0x131: {  	[tilespmem:s3], [sflag:$0x3] =	stream.linear.gather [hbm4b:s28+s2], $0x80, $0x38;
	[tilespmem:$0x10CC0] =	vst v63  }
0x132: {  	_ =	swait.ge [sflag:s6], $0x80  }
0x133: {  	[sflag:s6] =	ssyncset.done $0x0  }
0x134: {  	s28 =	rddreg [dreg:$0xb];
	[sflag:s6] =	ssyncadd.s32 $0xFFFFFF80  }
0x135: {  	[tilespmem:s8], [sflag:$0x3] =	stream.linear.gather [hbm4b:s28+s2], $0x80, $0x38;
	[tilespmem:$0x10CC0] =	vst v63  }
0x136: {  	_ =	swait.ge [sflag:s6], $0x80  }
0x137: {  	[sflag:s6] =	ssyncset.done $0x0  }
0x138: {  	[sflag:s6] =	ssyncadd.s32 $0xFFFFFF80  }
0x139: {  	[spmem:s1] =	stream.indirect.scatter.add.f32 [tilespmem:s22], [sflag:$0x3], $0x1, s2, s15, $0xb8;
	[tilespmem:$0x10CC0] =	vst v63  }
0x13a: {  	_ =	swait.ge [sflag:s6], $0x80  }
0x13b: {  	[sflag:s6] =	ssyncset.done $0x0  }
0x13c: {  	[sflag:s6] =	ssyncadd.s32 $0xFFFFFF80  }
0x13d: {  	[spmem:s1] =	stream.indirect.scatter.add.f32 [tilespmem:s22], [sflag:$0x3], $0x1, s15, s15, $0xb8;
	[tilespmem:$0x10CC0] =	vst v63  }
0x13e: {  	_ =	swait.ge [sflag:s6], $0x80  }
0x13f: {  	[sflag:s6] =	ssyncset.done $0x0  }
0x140: {  	[sflag:s6] =	ssyncadd.s32 $0xFFFFFF80  }
0x141: {  	[spmem:s1] =	stream.indirect.scatter.add.f32 [tilespmem:s22], [sflag:$0x3], $0x1, s29, s15, $0xb8;
	[tilespmem:$0x10CC0] =	vst v63  }
0x142: {  	_ =	swait.ge [sflag:s6], $0x80  }
0x143: {  	[sflag:s6] =	ssyncset.done $0x0  }
0x144: {  	[sflag:s6] =	ssyncadd.s32 $0xFFFFFF80  }
0x145: {  	[spmem:s1] =	stream.indirect.scatter.add.f32 [tilespmem:s22], [sflag:$0x3], $0x1, s25, s15, $0xb8;
	[tilespmem:$0x10CC0] =	vst v63  }
0x146: {  	_ =	swait.ge [sflag:s6], $0x80  }
0x147: {  	[sflag:s6] =	ssyncset.done $0x0  }
0x148: {  	[sflag:s6] =	ssyncadd.s32 $0xFFFFFF80  }
0x149: {  	[spmem:s1] =	stream.indirect.scatter.add.f32 [tilespmem:s22], [sflag:$0x3], $0x1, s7, s15, $0xb8;
	[tilespmem:$0x10CC0] =	vst v63  }
0x14a: {  	_ =	swait.ge [sflag:s6], $0x80  }
0x14b: {  	[sflag:s6] =	ssyncset.done $0x0  }
0x14c: {  	[sflag:s6] =	ssyncadd.s32 $0xFFFFFF80  }
0x14d: {  	[spmem:s1] =	stream.indirect.scatter.add.f32 [tilespmem:s22], [sflag:$0x3], $0x1, s21, s15, $0xb8;
	[tilespmem:$0x10CC0] =	vst v63  }
0x14e: {  	_ =	swait.ge [sflag:s6], $0x80  }
0x14f: {  	[sflag:s6] =	ssyncset.done $0x0  }
0x150: {  	[sflag:s6] =	ssyncadd.s32 $0xFFFFFF80  }
0x151: {  	[spmem:s1] =	stream.indirect.scatter.add.f32 [tilespmem:s22], [sflag:$0x3], $0x1, s3, s15, $0xb8;
	[tilespmem:$0x10CC0] =	vst v63  }
0x152: {  	_ =	swait.ge [sflag:s6], $0x80  }
0x153: {  	[sflag:s6] =	ssyncset.done $0x0  }
0x154: {  	[sflag:s6] =	ssyncadd.s32 $0xFFFFFF80  }
0x155: {  	[spmem:s1] =	stream.indirect.scatter.add.f32 [tilespmem:s22], [sflag:$0x3], $0x1, s8, s15, $0xb8;
	[tilespmem:$0x10CC0] =	vst v63  }
0x156: {  	_ =	swait.ge [sflag:s6], $0x80  }
0x157: {  	[sflag:s6] =	ssyncset.done $0x0  }
0x158: {  	[sflag:s6] =	ssyncadd.s32 $0xFFFFFF80  }
0x159: {  	[bflag:$0x0] =	sbarrier.arrive $0xFFFF  }
0x15a: {  	[tilespmem:s24], [sflag:$0x3] =	stream.linear.gather [spmem:s1], $0x400, $0x38;
	[tilespmem:$0x10CC0] =	vst v63  }
0x15b: {  	_ =	swait.ge [sflag:s6], $0x400  }
0x15c: {  	[sflag:s6] =	ssyncset.done $0x0  }
0x15d: {  	[sflag:s6] =	ssyncadd.s32 $0xFFFFFC00  }
0x15e: {  	v5 =	vld [tilespmem:$0x400];
	_ =	sdelay $0x5  }
0x15f: {  	v6 =	vld [tilespmem:$0x410];
	_ =	sdelay $0x1  }
0x160: {  	v5 =	vld.idx.msk [tilespmem:v5+s24+$0x0], $0xffff;
	_ =	sdelay $0x3  }
0x161: {  	v7 =	vld [tilespmem:$0x420]  }
0x162: {  	[tilespmem:$0xA80] =	vst v5  }
0x163: {  	v5 =	vld.idx.msk [tilespmem:v6+s24+$0x0], $0xffff;
	_ =	sdelay $0x3  }
0x164: {  	v6 =	vld [tilespmem:$0x430]  }
0x165: {  	[tilespmem:$0xA90] =	vst v5  }
0x166: {  	v5 =	vld.idx.msk [tilespmem:v7+s24+$0x0], $0xffff;
	_ =	sdelay $0x3  }
0x167: {  	v7 =	vld [tilespmem:$0x440]  }
0x168: {  	[tilespmem:$0xAA0] =	vst v5  }
0x169: {  	v5 =	vld.idx.msk [tilespmem:v6+s24+$0x0], $0xffff;
	_ =	sdelay $0x3  }
0x16a: {  	v6 =	vld [tilespmem:$0x450]  }
0x16b: {  	[tilespmem:$0xAB0] =	vst v5  }
0x16c: {  	v5 =	vld.idx.msk [tilespmem:v7+s24+$0x0], $0xffff;
	_ =	sdelay $0x3  }
0x16d: {  	v7 =	vld [tilespmem:$0x460]  }
0x16e: {  	[tilespmem:$0xAC0] =	vst v5  }
0x16f: {  	v5 =	vld.idx.msk [tilespmem:v6+s24+$0x0], $0xffff;
	_ =	sdelay $0x3  }
0x170: {  	v6 =	vld [tilespmem:$0x470]  }
0x171: {  	[tilespmem:$0xAD0] =	vst v5  }
0x172: {  	v5 =	vld.idx.msk [tilespmem:v7+s24+$0x0], $0xffff;
	_ =	sdelay $0x3  }
0x173: {  	v7 =	vld [tilespmem:$0x480]  }
0x174: {  	[tilespmem:$0xAE0] =	vst v5  }
0x175: {  	v5 =	vld.idx.msk [tilespmem:v6+s24+$0x0], $0xffff;
	_ =	sdelay $0x3  }
0x176: {  	v6 =	vld [tilespmem:$0x490]  }
0x177: {  	[tilespmem:$0xAF0] =	vst v5  }
0x178: {  	v5 =	vld.idx.msk [tilespmem:v7+s24+$0x0], $0xffff;
	_ =	sdelay $0x3  }
0x179: {  	v7 =	vld [tilespmem:$0x4A0]  }
0x17a: {  	[tilespmem:$0xB00] =	vst v5  }
0x17b: {  	v5 =	vld.idx.msk [tilespmem:v6+s24+$0x0], $0xffff;
	_ =	sdelay $0x3  }
0x17c: {  	v6 =	vld [tilespmem:$0x4B0]  }
0x17d: {  	[tilespmem:$0xB10] =	vst v5  }
0x17e: {  	v5 =	vld.idx.msk [tilespmem:v7+s24+$0x0], $0xffff;
	_ =	sdelay $0x3  }
0x17f: {  	v7 =	vld [tilespmem:$0x4C0]  }
0x180: {  	[tilespmem:$0xB20] =	vst v5  }
0x181: {  	v5 =	vld.idx.msk [tilespmem:v6+s24+$0x0], $0xffff;
	_ =	sdelay $0x3  }
0x182: {  	v6 =	vld [tilespmem:$0x4D0]  }
0x183: {  	[tilespmem:$0xB30] =	vst v5  }
0x184: {  	v5 =	vld.idx.msk [tilespmem:v7+s24+$0x0], $0xffff;
	_ =	sdelay $0x3  }
0x185: {  	v7 =	vld [tilespmem:$0x4E0]  }
0x186: {  	[tilespmem:$0xB40] =	vst v5  }
0x187: {  	v5 =	vld.idx.msk [tilespmem:v6+s24+$0x0], $0xffff;
	_ =	sdelay $0x3  }
0x188: {  	v6 =	vld [tilespmem:$0x4F0]  }
0x189: {  	[tilespmem:$0xB50] =	vst v5  }
0x18a: {  	v5 =	vld.idx.msk [tilespmem:v7+s24+$0x0], $0xffff;
	_ =	sdelay $0x3  }
0x18b: {  	v7 =	vld [tilespmem:$0x500]  }
0x18c: {  	[tilespmem:$0xB60] =	vst v5  }
0x18d: {  	v5 =	vld.idx.msk [tilespmem:v6+s24+$0x0], $0xffff;
	_ =	sdelay $0x3  }
0x18e: {  	v6 =	vld [tilespmem:$0x510]  }
0x18f: {  	[tilespmem:$0xB70] =	vst v5  }
0x190: {  	v5 =	vld.idx.msk [tilespmem:v7+s24+$0x0], $0xffff;
	_ =	sdelay $0x3  }
0x191: {  	v7 =	vld [tilespmem:$0x520]  }
0x192: {  	[tilespmem:$0xB80] =	vst v5  }
0x193: {  	v5 =	vld.idx.msk [tilespmem:v6+s24+$0x0], $0xffff;
	_ =	sdelay $0x3  }
0x194: {  	v6 =	vld [tilespmem:$0x530]  }
0x195: {  	[tilespmem:$0xB90] =	vst v5  }
0x196: {  	v5 =	vld.idx.msk [tilespmem:v7+s24+$0x0], $0xffff;
	_ =	sdelay $0x3  }
0x197: {  	v7 =	vld [tilespmem:$0x540]  }
0x198: {  	[tilespmem:$0xBA0] =	vst v5  }
0x199: {  	v5 =	vld.idx.msk [tilespmem:v6+s24+$0x0], $0xffff;
	_ =	sdelay $0x3  }
0x19a: {  	v6 =	vld [tilespmem:$0x550]  }
0x19b: {  	[tilespmem:$0xBB0] =	vst v5  }
0x19c: {  	v5 =	vld.idx.msk [tilespmem:v7+s24+$0x0], $0xffff;
	_ =	sdelay $0x3  }
0x19d: {  	v7 =	vld [tilespmem:$0x560]  }
0x19e: {  	[tilespmem:$0xBC0] =	vst v5  }
0x19f: {  	v5 =	vld.idx.msk [tilespmem:v6+s24+$0x0], $0xffff;
	_ =	sdelay $0x3  }
0x1a0: {  	v6 =	vld [tilespmem:$0x570]  }
0x1a1: {  	[tilespmem:$0xBD0] =	vst v5  }
0x1a2: {  	v5 =	vld.idx.msk [tilespmem:v7+s24+$0x0], $0xffff;
	_ =	sdelay $0x3  }
0x1a3: {  	v7 =	vld [tilespmem:$0x580]  }
0x1a4: {  	[tilespmem:$0xBE0] =	vst v5  }
0x1a5: {  	v5 =	vld.idx.msk [tilespmem:v6+s24+$0x0], $0xffff;
	_ =	sdelay $0x3  }
0x1a6: {  	v6 =	vld [tilespmem:$0x590]  }
0x1a7: {  	[tilespmem:$0xBF0] =	vst v5  }
0x1a8: {  	v5 =	vld.idx.msk [tilespmem:v7+s24+$0x0], $0xffff;
	_ =	sdelay $0x3  }
0x1a9: {  	v7 =	vld [tilespmem:$0x5A0]  }
0x1aa: {  	[tilespmem:$0xC00] =	vst v5  }
0x1ab: {  	v5 =	vld.idx.msk [tilespmem:v6+s24+$0x0], $0xffff;
	_ =	sdelay $0x3  }
0x1ac: {  	v6 =	vld [tilespmem:$0x5B0]  }
0x1ad: {  	[tilespmem:$0xC10] =	vst v5  }
0x1ae: {  	v5 =	vld.idx.msk [tilespmem:v7+s24+$0x0], $0xffff;
	_ =	sdelay $0x3  }
0x1af: {  	v7 =	vld [tilespmem:$0x5C0]  }
0x1b0: {  	[tilespmem:$0xC20] =	vst v5  }
0x1b1: {  	v5 =	vld.idx.msk [tilespmem:v6+s24+$0x0], $0xffff;
	_ =	sdelay $0x3  }
0x1b2: {  	v6 =	vld [tilespmem:$0x5D0]  }
0x1b3: {  	[tilespmem:$0xC30] =	vst v5  }
0x1b4: {  	v5 =	vld.idx.msk [tilespmem:v7+s24+$0x0], $0xffff;
	_ =	sdelay $0x3  }
0x1b5: {  	v7 =	vld [tilespmem:$0x5E0]  }
0x1b6: {  	[tilespmem:$0xC40] =	vst v5  }
0x1b7: {  	v5 =	vld.idx.msk [tilespmem:v6+s24+$0x0], $0xffff;
	_ =	sdelay $0x3  }
0x1b8: {  	v6 =	vld [tilespmem:$0x5F0]  }
0x1b9: {  	[tilespmem:$0xC50] =	vst v5  }
0x1ba: {  	v5 =	vld.idx.msk [tilespmem:v7+s24+$0x0], $0xffff;
	_ =	sdelay $0x4  }
0x1bb: {  	[tilespmem:$0xC60] =	vst v5  }
0x1bc: {  	v5 =	vld.idx.msk [tilespmem:v6+s24+$0x0], $0xffff;
	_ =	sdelay $0x3  }
0x1bd: {  	s28 =	rddreg [dreg:$0xc]  }
0x1be: {  	s3 =	rddreg [dreg:$0x12];
	[tilespmem:$0xC70] =	vst v5  }
0x1bf: {  	[hbm4b:s28+s2] =	stream.linear.scatter [tilespmem:s3], [sflag:$0x3], $0x200, $0x38;
	[tilespmem:$0x10CC0] =	vst v63  }
0x1c0: {  	_ =	swait.ge [sflag:s6], $0x200  }
0x1c1: {  	[sflag:s6] =	ssyncset.done $0x0  }
0x1c2: {  	[sflag:s6] =	ssyncadd.s32 $0xFFFFFE00  }
0x1c3: {  	_ =	swait.ge [sflag:s9], $0x8000  }
0x1c4: {  	[sflag:s9] =	ssyncset.done $0x0  }
0x1c5: {  	s3 =	rddreg [dreg:$0xd];
	[sflag:s9] =	ssyncadd.s32 $0xFFFF8000  }
0x1c6: {  	[hbm4b:s3+s2] =	stream.linear.scatter [tilespmem:s23], [sflag:$0x3], $0x8000, $0x38;
	[tilespmem:$0x10CC0] =	vst v63  }
0x1c7: {  	_ =	swait.ge [sflag:s6], $0x8000  }
0x1c8: {  	[sflag:s6] =	ssyncset.done $0x0  }
0x1c9: {  	[sflag:s6] =	ssyncadd.s32 $0xFFFF8000  }
0x1ca: {  	v5 =	vld [tilespmem:$0x500];
	_ =	sdelay $0x4  }
0x1cb: {  	v6 =	vshll.u32 v5, $0x1  }
0x1cc: {  	v5 =	vand.u32 $0x7, v5;
	v6 =	vand.u32 $0xFFFFFFF0, v6  }
0x1cd: {  	v5 =	vor.u32 v5, v6  }
0x1ce: {  	v6 =	vperm.xlane v5, v2;
	_ =	sdelay $0x1  }
0x1cf: {  	v5 =	vperm.xlane v5, v4;
	v6 =	vadd.s32 v3, v6;
	_ =	sdelay $0x1  }
0x1d0: {  	v5 =	vadd.s32 v3, v5;
	_ =	sdelay $0x2  }
0x1d1: {  	[tilespmem:s23], [sflag:$0x1] =	stream.indirect_vreg.gather [hbm4b:s4+s2], $0x80, v6, vm0, $0xb8;
	[tilespmem:$0x10CC0] =	vst v63  }
0x1d2: {  	_ = 	snop  }
0x1d3: {  	[tilespmem:s30], [sflag:$0x1] =	stream.indirect_vreg.gather [hbm4b:s4+s2], $0x80, v5, vm0, $0xb8;
	[tilespmem:$0x10CC0] =	vst v63  }
0x1d4: {  	v5 =	vld [tilespmem:$0x510];
	_ =	sdelay $0x4  }
0x1d5: {  	v6 =	vshll.u32 v5, $0x1  }
0x1d6: {  	v5 =	vand.u32 $0x7, v5;
	v6 =	vand.u32 $0xFFFFFFF0, v6  }
0x1d7: {  	v5 =	vor.u32 v5, v6  }
0x1d8: {  	v6 =	vperm.xlane v5, v2;
	_ =	sdelay $0x1  }
0x1d9: {  	v5 =	vperm.xlane v5, v4;
	v6 =	vadd.s32 v3, v6;
	_ =	sdelay $0x1  }
0x1da: {  	v5 =	vadd.s32 v3, v5;
	_ =	sdelay $0x2  }
0x1db: {  	[tilespmem:s31], [sflag:$0x1] =	stream.indirect_vreg.gather [hbm4b:s4+s2], $0x80, v6, vm0, $0xb8;
	[tilespmem:$0x10CC0] =	vst v63  }
0x1dc: {  	s29 =	simm.s32 $0x2480  }
0x1dd: {  	[tilespmem:s29], [sflag:$0x1] =	stream.indirect_vreg.gather [hbm4b:s4+s2], $0x80, v5, vm0, $0xb8;
	[tilespmem:$0x10CC0] =	vst v63  }
0x1de: {  	v5 =	vld [tilespmem:$0x520];
	_ =	sdelay $0x4  }
0x1df: {  	v6 =	vshll.u32 v5, $0x1  }
0x1e0: {  	v5 =	vand.u32 $0x7, v5;
	v6 =	vand.u32 $0xFFFFFFF0, v6  }
0x1e1: {  	v5 =	vor.u32 v5, v6  }
0x1e2: {  	v6 =	vperm.xlane v5, v2;
	_ =	sdelay $0x1  }
0x1e3: {  	v5 =	vperm.xlane v5, v4;
	v6 =	vadd.s32 v3, v6;
	_ =	sdelay $0x1  }
0x1e4: {  	v5 =	vadd.s32 v3, v5;
	_ =	sdelay $0x1  }
0x1e5: {  	s28 =	simm.s32 $0x2C80  }
0x1e6: {  	[tilespmem:s28], [sflag:$0x1] =	stream.indirect_vreg.gather [hbm4b:s4+s2], $0x80, v6, vm0, $0xb8;
	[tilespmem:$0x10CC0] =	vst v63  }
0x1e7: {  	s29 =	simm.s32 $0x3480  }
0x1e8: {  	[tilespmem:s29], [sflag:$0x1] =	stream.indirect_vreg.gather [hbm4b:s4+s2], $0x80, v5, vm0, $0xb8;
	[tilespmem:$0x10CC0] =	vst v63  }
0x1e9: {  	v5 =	vld [tilespmem:$0x530];
	_ =	sdelay $0x4  }
0x1ea: {  	v6 =	vshll.u32 v5, $0x1  }
0x1eb: {  	v5 =	vand.u32 $0x7, v5;
	v6 =	vand.u32 $0xFFFFFFF0, v6  }
0x1ec: {  	v5 =	vor.u32 v5, v6  }
0x1ed: {  	v6 =	vperm.xlane v5, v2;
	_ =	sdelay $0x1  }
0x1ee: {  	v5 =	vperm.xlane v5, v4;
	v6 =	vadd.s32 v3, v6;
	_ =	sdelay $0x1  }
0x1ef: {  	v5 =	vadd.s32 v3, v5;
	_ =	sdelay $0x2  }
0x1f0: {  	[tilespmem:s10], [sflag:$0x1] =	stream.indirect_vreg.gather [hbm4b:s4+s2], $0x80, v6, vm0, $0xb8;
	[tilespmem:$0x10CC0] =	vst v63  }
0x1f1: {  	_ = 	snop  }
0x1f2: {  	[tilespmem:s11], [sflag:$0x1] =	stream.indirect_vreg.gather [hbm4b:s4+s2], $0x80, v5, vm0, $0xb8;
	[tilespmem:$0x10CC0] =	vst v63  }
0x1f3: {  	v5 =	vld [tilespmem:$0x540];
	_ =	sdelay $0x4  }
0x1f4: {  	v6 =	vshll.u32 v5, $0x1  }
0x1f5: {  	v5 =	vand.u32 $0x7, v5;
	v6 =	vand.u32 $0xFFFFFFF0, v6  }
0x1f6: {  	v5 =	vor.u32 v5, v6  }
0x1f7: {  	v6 =	vperm.xlane v5, v2;
	_ =	sdelay $0x1  }
0x1f8: {  	v5 =	vperm.xlane v5, v4;
	v6 =	vadd.s32 v3, v6;
	_ =	sdelay $0x1  }
0x1f9: {  	v5 =	vadd.s32 v3, v5;
	_ =	sdelay $0x2  }
0x1fa: {  	[tilespmem:s12], [sflag:$0x1] =	stream.indirect_vreg.gather [hbm4b:s4+s2], $0x80, v6, vm0, $0xb8;
	[tilespmem:$0x10CC0] =	vst v63  }
0x1fb: {  	_ = 	snop  }
0x1fc: {  	[tilespmem:s13], [sflag:$0x1] =	stream.indirect_vreg.gather [hbm4b:s4+s2], $0x80, v5, vm0, $0xb8;
	[tilespmem:$0x10CC0] =	vst v63  }
0x1fd: {  	v5 =	vld [tilespmem:$0x550];
	_ =	sdelay $0x4  }
0x1fe: {  	v6 =	vshll.u32 v5, $0x1  }
0x1ff: {  	v5 =	vand.u32 $0x7, v5;
	v6 =	vand.u32 $0xFFFFFFF0, v6  }
0x200: {  	v5 =	vor.u32 v5, v6  }
0x201: {  	v6 =	vperm.xlane v5, v2;
	_ =	sdelay $0x1  }
0x202: {  	v5 =	vperm.xlane v5, v4;
	v6 =	vadd.s32 v3, v6;
	_ =	sdelay $0x1  }
0x203: {  	v5 =	vadd.s32 v3, v5;
	_ =	sdelay $0x2  }
0x204: {  	[tilespmem:s14], [sflag:$0x1] =	stream.indirect_vreg.gather [hbm4b:s4+s2], $0x80, v6, vm0, $0xb8;
	[tilespmem:$0x10CC0] =	vst v63  }
0x205: {  	_ = 	snop  }
0x206: {  	[tilespmem:s16], [sflag:$0x1] =	stream.indirect_vreg.gather [hbm4b:s4+s2], $0x80, v5, vm0, $0xb8;
	[tilespmem:$0x10CC0] =	vst v63  }
0x207: {  	v5 =	vld [tilespmem:$0x560];
	_ =	sdelay $0x4  }
0x208: {  	v6 =	vshll.u32 v5, $0x1  }
0x209: {  	v5 =	vand.u32 $0x7, v5;
	v6 =	vand.u32 $0xFFFFFFF0, v6  }
0x20a: {  	v5 =	vor.u32 v5, v6  }
0x20b: {  	v6 =	vperm.xlane v5, v2;
	_ =	sdelay $0x1  }
0x20c: {  	v5 =	vperm.xlane v5, v4;
	v6 =	vadd.s32 v3, v6;
	_ =	sdelay $0x1  }
0x20d: {  	v5 =	vadd.s32 v3, v5;
	_ =	sdelay $0x2  }
0x20e: {  	[tilespmem:s17], [sflag:$0x1] =	stream.indirect_vreg.gather [hbm4b:s4+s2], $0x80, v6, vm0, $0xb8;
	[tilespmem:$0x10CC0] =	vst v63  }
0x20f: {  	_ = 	snop  }
0x210: {  	[tilespmem:s18], [sflag:$0x1] =	stream.indirect_vreg.gather [hbm4b:s4+s2], $0x80, v5, vm0, $0xb8;
	[tilespmem:$0x10CC0] =	vst v63  }
0x211: {  	v5 =	vld [tilespmem:$0x570];
	_ =	sdelay $0x4  }
0x212: {  	v6 =	vshll.u32 v5, $0x1  }
0x213: {  	v5 =	vand.u32 $0x7, v5;
	v6 =	vand.u32 $0xFFFFFFF0, v6  }
0x214: {  	v5 =	vor.u32 v5, v6  }
0x215: {  	v6 =	vperm.xlane v5, v2;
	_ =	sdelay $0x1  }
0x216: {  	v5 =	vperm.xlane v5, v4;
	v6 =	vadd.s32 v3, v6;
	_ =	sdelay $0x1  }
0x217: {  	v5 =	vadd.s32 v3, v5;
	_ =	sdelay $0x2  }
0x218: {  	[tilespmem:s19], [sflag:$0x1] =	stream.indirect_vreg.gather [hbm4b:s4+s2], $0x80, v6, vm0, $0xb8;
	[tilespmem:$0x10CC0] =	vst v63  }
0x219: {  	_ = 	snop  }
0x21a: {  	[tilespmem:s20], [sflag:$0x1] =	stream.indirect_vreg.gather [hbm4b:s4+s2], $0x80, v5, vm0, $0xb8;
	[tilespmem:$0x10CC0] =	vst v63  }
0x21b: {  	_ =	swait.ge [sflag:s26], $0x8000  }
0x21c: {  	[sflag:s26] =	ssyncset.done $0x0  }
0x21d: {  	s3 =	rddreg [dreg:$0xe];
	[sflag:s26] =	ssyncadd.s32 $0xFFFF8000  }
0x21e: {  	[hbm4b:s3+s2] =	stream.linear.scatter [tilespmem:s0], [sflag:$0x3], $0x8000, $0x38;
	[tilespmem:$0x10CC0] =	vst v63  }
0x21f: {  	_ =	swait.ge [sflag:s6], $0x8000  }
0x220: {  	[sflag:s6] =	ssyncset.done $0x0  }
0x221: {  	[sflag:s6] =	ssyncadd.s32 $0xFFFF8000  }
0x222: {  	v5 =	vld [tilespmem:$0x580];
	_ =	sdelay $0x4  }
0x223: {  	v6 =	vshll.u32 v5, $0x1  }
0x224: {  	v5 =	vand.u32 $0x7, v5;
	v6 =	vand.u32 $0xFFFFFFF0, v6  }
0x225: {  	v5 =	vor.u32 v5, v6  }
0x226: {  	v6 =	vperm.xlane v5, v2;
	_ =	sdelay $0x1  }
0x227: {  	v5 =	vperm.xlane v5, v4;
	v6 =	vadd.s32 v3, v6;
	_ =	sdelay $0x1  }
0x228: {  	v5 =	vadd.s32 v3, v5;
	_ =	sdelay $0x2  }
0x229: {  	[tilespmem:s0], [sflag:$0x2] =	stream.indirect_vreg.gather [hbm4b:s4+s2], $0x80, v6, vm0, $0xb8;
	[tilespmem:$0x10CC0] =	vst v63  }
0x22a: {  	s29 =	simm.s32 $0x9480  }
0x22b: {  	[tilespmem:s29], [sflag:$0x2] =	stream.indirect_vreg.gather [hbm4b:s4+s2], $0x80, v5, vm0, $0xb8;
	[tilespmem:$0x10CC0] =	vst v63  }
0x22c: {  	v5 =	vld [tilespmem:$0x590];
	_ =	sdelay $0x4  }
0x22d: {  	v6 =	vshll.u32 v5, $0x1  }
0x22e: {  	v5 =	vand.u32 $0x7, v5;
	v6 =	vand.u32 $0xFFFFFFF0, v6  }
0x22f: {  	v5 =	vor.u32 v5, v6  }
0x230: {  	v6 =	vperm.xlane v5, v2;
	_ =	sdelay $0x1  }
0x231: {  	v5 =	vperm.xlane v5, v4;
	v6 =	vadd.s32 v3, v6;
	_ =	sdelay $0x1  }
0x232: {  	v5 =	vadd.s32 v3, v5;
	_ =	sdelay $0x1  }
0x233: {  	s28 =	simm.s32 $0x9C80  }
0x234: {  	[tilespmem:s28], [sflag:$0x2] =	stream.indirect_vreg.gather [hbm4b:s4+s2], $0x80, v6, vm0, $0xb8;
	[tilespmem:$0x10CC0] =	vst v63  }
0x235: {  	s29 =	simm.s32 $0xA480  }
0x236: {  	[tilespmem:s29], [sflag:$0x2] =	stream.indirect_vreg.gather [hbm4b:s4+s2], $0x80, v5, vm0, $0xb8;
	[tilespmem:$0x10CC0] =	vst v63  }
0x237: {  	v5 =	vld [tilespmem:$0x5A0];
	_ =	sdelay $0x4  }
0x238: {  	v6 =	vshll.u32 v5, $0x1  }
0x239: {  	v5 =	vand.u32 $0x7, v5;
	v6 =	vand.u32 $0xFFFFFFF0, v6  }
0x23a: {  	v5 =	vor.u32 v5, v6  }
0x23b: {  	v6 =	vperm.xlane v5, v2;
	_ =	sdelay $0x1  }
0x23c: {  	v5 =	vperm.xlane v5, v4;
	v6 =	vadd.s32 v3, v6;
	_ =	sdelay $0x1  }
0x23d: {  	v5 =	vadd.s32 v3, v5;
	_ =	sdelay $0x1  }
0x23e: {  	s28 =	simm.s32 $0xAC80  }
0x23f: {  	[tilespmem:s28], [sflag:$0x2] =	stream.indirect_vreg.gather [hbm4b:s4+s2], $0x80, v6, vm0, $0xb8;
	[tilespmem:$0x10CC0] =	vst v63  }
0x240: {  	s29 =	simm.s32 $0xB480  }
0x241: {  	[tilespmem:s29], [sflag:$0x2] =	stream.indirect_vreg.gather [hbm4b:s4+s2], $0x80, v5, vm0, $0xb8;
	[tilespmem:$0x10CC0] =	vst v63  }
0x242: {  	v5 =	vld [tilespmem:$0x5B0];
	_ =	sdelay $0x4  }
0x243: {  	v6 =	vshll.u32 v5, $0x1  }
0x244: {  	v5 =	vand.u32 $0x7, v5;
	v6 =	vand.u32 $0xFFFFFFF0, v6  }
0x245: {  	v5 =	vor.u32 v5, v6  }
0x246: {  	v6 =	vperm.xlane v5, v2;
	_ =	sdelay $0x1  }
0x247: {  	v5 =	vperm.xlane v5, v4;
	v6 =	vadd.s32 v3, v6;
	_ =	sdelay $0x1  }
0x248: {  	v5 =	vadd.s32 v3, v5;
	_ =	sdelay $0x1  }
0x249: {  	s28 =	simm.s32 $0xBC80  }
0x24a: {  	[tilespmem:s28], [sflag:$0x2] =	stream.indirect_vreg.gather [hbm4b:s4+s2], $0x80, v6, vm0, $0xb8;
	[tilespmem:$0x10CC0] =	vst v63  }
0x24b: {  	s29 =	simm.s32 $0xC480  }
0x24c: {  	[tilespmem:s29], [sflag:$0x2] =	stream.indirect_vreg.gather [hbm4b:s4+s2], $0x80, v5, vm0, $0xb8;
	[tilespmem:$0x10CC0] =	vst v63  }
0x24d: {  	v5 =	vld [tilespmem:$0x5C0];
	_ =	sdelay $0x4  }
0x24e: {  	v6 =	vshll.u32 v5, $0x1  }
0x24f: {  	v5 =	vand.u32 $0x7, v5;
	v6 =	vand.u32 $0xFFFFFFF0, v6  }
0x250: {  	v5 =	vor.u32 v5, v6  }
0x251: {  	v6 =	vperm.xlane v5, v2;
	_ =	sdelay $0x1  }
0x252: {  	v5 =	vperm.xlane v5, v4;
	v6 =	vadd.s32 v3, v6;
	_ =	sdelay $0x1  }
0x253: {  	v5 =	vadd.s32 v3, v5;
	_ =	sdelay $0x1  }
0x254: {  	s28 =	simm.s32 $0xCC80  }
0x255: {  	[tilespmem:s28], [sflag:$0x2] =	stream.indirect_vreg.gather [hbm4b:s4+s2], $0x80, v6, vm0, $0xb8;
	[tilespmem:$0x10CC0] =	vst v63  }
0x256: {  	s29 =	simm.s32 $0xD480  }
0x257: {  	[tilespmem:s29], [sflag:$0x2] =	stream.indirect_vreg.gather [hbm4b:s4+s2], $0x80, v5, vm0, $0xb8;
	[tilespmem:$0x10CC0] =	vst v63  }
0x258: {  	v5 =	vld [tilespmem:$0x5D0];
	_ =	sdelay $0x4  }
0x259: {  	v6 =	vshll.u32 v5, $0x1  }
0x25a: {  	v5 =	vand.u32 $0x7, v5;
	v6 =	vand.u32 $0xFFFFFFF0, v6  }
0x25b: {  	v5 =	vor.u32 v5, v6  }
0x25c: {  	v6 =	vperm.xlane v5, v2;
	_ =	sdelay $0x1  }
0x25d: {  	v5 =	vperm.xlane v5, v4;
	v6 =	vadd.s32 v3, v6;
	_ =	sdelay $0x1  }
0x25e: {  	v5 =	vadd.s32 v3, v5;
	_ =	sdelay $0x1  }
0x25f: {  	s28 =	simm.s32 $0xDC80  }
0x260: {  	[tilespmem:s28], [sflag:$0x2] =	stream.indirect_vreg.gather [hbm4b:s4+s2], $0x80, v6, vm0, $0xb8;
	[tilespmem:$0x10CC0] =	vst v63  }
0x261: {  	s29 =	simm.s32 $0xE480  }
0x262: {  	[tilespmem:s29], [sflag:$0x2] =	stream.indirect_vreg.gather [hbm4b:s4+s2], $0x80, v5, vm0, $0xb8;
	[tilespmem:$0x10CC0] =	vst v63  }
0x263: {  	v5 =	vld [tilespmem:$0x5E0];
	_ =	sdelay $0x4  }
0x264: {  	v6 =	vshll.u32 v5, $0x1  }
0x265: {  	v5 =	vand.u32 $0x7, v5;
	v6 =	vand.u32 $0xFFFFFFF0, v6  }
0x266: {  	v5 =	vor.u32 v5, v6  }
0x267: {  	v6 =	vperm.xlane v5, v2;
	_ =	sdelay $0x1  }
0x268: {  	v5 =	vperm.xlane v5, v4;
	v6 =	vadd.s32 v3, v6;
	_ =	sdelay $0x1  }
0x269: {  	v5 =	vadd.s32 v3, v5;
	_ =	sdelay $0x1  }
0x26a: {  	s28 =	simm.s32 $0xEC80  }
0x26b: {  	[tilespmem:s28], [sflag:$0x2] =	stream.indirect_vreg.gather [hbm4b:s4+s2], $0x80, v6, vm0, $0xb8;
	[tilespmem:$0x10CC0] =	vst v63  }
0x26c: {  	s29 =	simm.s32 $0xF480  }
0x26d: {  	[tilespmem:s29], [sflag:$0x2] =	stream.indirect_vreg.gather [hbm4b:s4+s2], $0x80, v5, vm0, $0xb8;
	[tilespmem:$0x10CC0] =	vst v63  }
0x26e: {  	v5 =	vld [tilespmem:$0x5F0];
	_ =	sdelay $0x4  }
0x26f: {  	v6 =	vshll.u32 v5, $0x1  }
0x270: {  	v5 =	vand.u32 $0x7, v5;
	v6 =	vand.u32 $0xFFFFFFF0, v6  }
0x271: {  	v5 =	vor.u32 v5, v6  }
0x272: {  	v6 =	vperm.xlane v5, v2;
	_ =	sdelay $0x1  }
0x273: {  	v5 =	vperm.xlane v5, v4;
	v6 =	vadd.s32 v3, v6;
	_ =	sdelay $0x1  }
0x274: {  	v5 =	vadd.s32 v3, v5;
	_ =	sdelay $0x1  }
0x275: {  	s28 =	simm.s32 $0xFC80  }
0x276: {  	[tilespmem:s28], [sflag:$0x2] =	stream.indirect_vreg.gather [hbm4b:s4+s2], $0x80, v6, vm0, $0xb8;
	[tilespmem:$0x10CC0] =	vst v63  }
0x277: {  	s29 =	simm.s32 $0x10480  }
0x278: {  	[tilespmem:s29], [sflag:$0x2] =	stream.indirect_vreg.gather [hbm4b:s4+s2], $0x80, v5, vm0, $0xb8;
	[tilespmem:$0x10CC0] =	vst v63  }
0x279: {  	_ =	swait.ge [sflag:s9], $0x8000  }
0x27a: {  	[sflag:s9] =	ssyncset.done $0x0  }
0x27b: {  	s3 =	rddreg [dreg:$0xf];
	[sflag:s9] =	ssyncadd.s32 $0xFFFF8000  }
0x27c: {  	[hbm4b:s3+s2] =	stream.linear.scatter [tilespmem:s23], [sflag:$0x3], $0x8000, $0x38;
	[tilespmem:$0x10CC0] =	vst v63  }
0x27d: {  	_ =	swait.ge [sflag:s6], $0x8000  }
0x27e: {  	[sflag:s6] =	ssyncset.done $0x0  }
0x27f: {  	[sflag:s6] =	ssyncadd.s32 $0xFFFF8000  }
0x280: {  	s5 =	sadd.s32 $0xFFFFFFFF, s5;
	_ =	swait.ge [sflag:s26], $0x8000  }
0x281: {  	p1 =	sne.s32 s5, $0x0;
	[sflag:s26] =	ssyncset.done $0x0  }
.Ltmp0:
0x282: {  	s29 =	rddreg [dreg:$0x10];
	[sflag:s26] =	ssyncadd.s32 $0xFFFF8000;
	(pc) =	sbr.rel @p1 .LBB2_1-.Ltmp0, $4  }
0x283: {  	[hbm4b:s29+s2] =	stream.linear.scatter [tilespmem:s0], [sflag:$0x3], $0x8000, $0x38;
	[tilespmem:$0x10CC0] =	vst v63  }
0x284: {  	_ =	swait.ge [sflag:s6], $0x8000  }
0x285: {  	[sflag:s6] =	ssyncset.done $0x0  }
0x286: {  	[sflag:s6] =	ssyncadd.s32 $0xFFFF8000  }
0x287: {  	_ =	sfence.sel $0x180000  }
0x288: {  	[bflag:$0x0] =	sbarrier.arrive $0xFFFF  }
0x289: {  	_ =	strace $0x90000047  }
0x28a: {  	[bflag:$0x2] =	sbarrier.arrive $0xFFFF  }
0x28b: {  	s0 =	rddreg [dreg:$0x3]  }
0x28c: {  	s0 =	sadd.s32 @!p0 $0x100000, s0  }
0x28d: {  	[sflag:s0] =	ssyncadd.tile.s32 @!p0 $0x1;
	_ =	shalt  }
.Lfunc_end2:
_tile_overlayer_lowered:
.L_overlay_start_2:
0x28e: {  	(tag) =	ssettag $0x2  }
0x28f: {  	s0 =	rddreg [dreg:$0x0];
	s2 =	stileid.u32  }
0x290: {  	s1 =	rddreg [dreg:$0x1];
	p0 =	sne.s32 s2, $0x0  }
0x291: {  	s3 =	rddreg [dreg:$0x2];
	[bflag:$0x3] =	sbarrier.arrive $0xFFFF;
	s2 =	simm.s32 @!p0 $0x1C03  }
0x292: {  	[timem:s3], [sflag:s2] =	dma.local @!p0 [hbm:s0], s1  }
0x293: {  	s0 =	simm.s32 @!p0 $0x3  }
0x294: {  	_ =	swait.ge @!p0 [sflag:s0], s1  }
0x295: {  	s1 =	ssub.s32 @!p0 $0x0, s1;
	[sflag:s0] =	ssyncset.done @!p0 $0x0  }
0x296: {  	[sflag:s0] =	ssyncadd.s32 @!p0 s1  }
0x297: {  	[bflag:$0x3] =	sbarrier.arrive $0xFFFF  }
0x298: {  	_ =	shalt  }

</sc_bundles>
